<compile_context>
chip_gen: v7x
topology: tpu7x:2x2x1
jax: 0.10.2.dev20260603
libtpu: 0.0.44.dev20260713+nightly
codegen_flags: <defaults>
</compile_context>

<pallas_src>
import functools

import jax
import jax.numpy as jnp
from jax import lax
from jax.experimental import pallas as pl
from jax.experimental.pallas import tpu as pltpu
from jax.experimental.pallas import tpu_sc as plsc

BATCH = 16384
EMBED = 32
FEAT = 2 * EMBED
NW = 32
CHUNK = 128
B_PER_W = BATCH // NW
NCH = B_PER_W // CHUNK
BN_EPS = 1e-5

_mesh = plsc.VectorSubcoreMesh(core_axis_name="c", subcore_axis_name="s")


@functools.partial(
    pl.kernel,
    mesh=_mesh,
    compiler_params=pltpu.CompilerParams(use_tc_tiling_on_sc=False),
    out_type=jax.ShapeDtypeStruct((NW, NCH, CHUNK, 2, EMBED), jnp.float32),
    scratch_types=[
        pltpu.VMEM((NCH, CHUNK), jnp.int32),
        pltpu.VMEM((NCH, CHUNK), jnp.int32),
        pltpu.VMEM((NCH, CHUNK, EMBED), jnp.float32),
        pltpu.VMEM((NCH, CHUNK, EMBED), jnp.float32),
        pltpu.SemaphoreType.DMA,
    ],
)
def _gather_embeddings(users_hbm, items_hbm, utab_hbm, mtab_hbm, out_hbm,
                       uidx_v, iidx_v, ubuf_v, ibuf_v, sem):
    c = lax.axis_index("c")
    s = lax.axis_index("s")
    wid = s * 2 + c
    pltpu.sync_copy(users_hbm.at[wid], uidx_v)
    pltpu.sync_copy(items_hbm.at[wid], iidx_v)
    copies = []
    for j in range(NCH):
        copies.append(pltpu.async_copy(utab_hbm.at[uidx_v.at[j]], ubuf_v.at[j], sem))
        copies.append(pltpu.async_copy(mtab_hbm.at[iidx_v.at[j]], ibuf_v.at[j], sem))
    for cp in copies:
        cp.wait()
    for j in range(NCH):
        pltpu.sync_copy(ubuf_v.at[j], out_hbm.at[wid, j, :, 0])
        pltpu.sync_copy(ibuf_v.at[j], out_hbm.at[wid, j, :, 1])


BM = 2048


def _mlp_body(x_ref, g_ref, be_ref, mu_ref, var_ref,
              W1_ref, b1_ref, W2_ref, b2_ref, W3_ref, b3_ref, Wo_ref, bo_ref,
              o_ref):
    s = g_ref[...] * lax.rsqrt(var_ref[...] + BN_EPS)
    x = x_ref[...] * s + (be_ref[...] - mu_ref[...] * s)
    h = jnp.maximum(jnp.dot(x, W1_ref[...], preferred_element_type=jnp.float32) + b1_ref[...], 0.0)
    h = jnp.maximum(jnp.dot(h, W2_ref[...], preferred_element_type=jnp.float32) + b2_ref[...], 0.0)
    h = jnp.maximum(jnp.dot(h, W3_ref[...], preferred_element_type=jnp.float32) + b3_ref[...], 0.0)
    o_ref[...] = jnp.dot(h, Wo_ref[...], preferred_element_type=jnp.float32) + bo_ref[...]


def _full(shape):
    return pl.BlockSpec(shape, lambda i: (0, 0))


_mlp = pl.pallas_call(
    _mlp_body,
    grid=(BATCH // BM,),
    in_specs=[
        pl.BlockSpec((BM, FEAT), lambda i: (i, 0)),
        _full((1, FEAT)), _full((1, FEAT)), _full((1, FEAT)), _full((1, FEAT)),
        _full((FEAT, 32)), _full((1, 32)),
        _full((32, 16)), _full((1, 16)),
        _full((16, 8)), _full((1, 8)),
        _full((8, 1)), _full((1, 1)),
    ],
    out_specs=pl.BlockSpec((BM, 1), lambda i: (i, 0)),
    out_shape=jax.ShapeDtypeStruct((BATCH, 1), jnp.float32),
)


def kernel(users, items, user_table, movie_table, bn_gamma, bn_beta, bn_mean,
           bn_var, W1, b1, W2, b2, W3, b3, Wo, bo):
    users_r = users.astype(jnp.int32).reshape(NW, NCH, CHUNK)
    items_r = items.astype(jnp.int32).reshape(NW, NCH, CHUNK)
    x = _gather_embeddings(users_r, items_r, user_table, movie_table)
    x = x.reshape(BATCH, FEAT)
    rating = _mlp(
        x,
        bn_gamma.reshape(1, FEAT), bn_beta.reshape(1, FEAT),
        bn_mean.reshape(1, FEAT), bn_var.reshape(1, FEAT),
        W1, b1.reshape(1, 32),
        W2, b2.reshape(1, 16),
        W3, b3.reshape(1, 8),
        Wo, bo.reshape(1, 1),
    )
    return rating

# --- scband reference (transcript-rebuilt; emitter-appended) ---
"""Pipeline reference for scband-recommender-30202210025514 (READ-ONLY COPY).

The authoritative reference and input builder live on the scoring server;
editing this copy changes nothing except your own understanding.
"""

import jax, jax.numpy as jnp
import numpy as np

N_USERS = 1000000
N_MOVIES = 1000000
EMBED_DIM = 32
BATCH = 16384
LAYERS = [64, 32, 16, 8]
BN_EPS = 1e-5


def setup_inputs(seed: int = 0) -> dict:
    key = jax.random.key(seed)
    ks = jax.random.split(key, 16)
    users = jax.random.randint(ks[0], (BATCH,), 0, N_USERS, dtype=jnp.int64 if jax.config.read('jax_enable_x64') else jnp.int32).astype(jnp.int32)
    items = jax.random.randint(ks[1], (BATCH,), 0, N_MOVIES, dtype=jnp.int32)
    user_table = jax.random.normal(ks[2], (N_USERS, EMBED_DIM), dtype=jnp.float32) * 0.02
    movie_table = jax.random.normal(ks[3], (N_MOVIES, EMBED_DIM), dtype=jnp.float32) * 0.02
    bn_gamma = jnp.ones((LAYERS[0],), dtype=jnp.float32)
    bn_beta = jnp.zeros((LAYERS[0],), dtype=jnp.float32)
    bn_mean = jnp.zeros((LAYERS[0],), dtype=jnp.float32)
    bn_var = jnp.ones((LAYERS[0],), dtype=jnp.float32)
    W1 = jax.random.normal(ks[4], (LAYERS[0], LAYERS[1]), dtype=jnp.float32) * (1.0 / np.sqrt(LAYERS[0]))
    b1 = jnp.zeros((LAYERS[1],), dtype=jnp.float32)
    W2 = jax.random.normal(ks[5], (LAYERS[1], LAYERS[2]), dtype=jnp.float32) * (1.0 / np.sqrt(LAYERS[1]))
    b2 = jnp.zeros((LAYERS[2],), dtype=jnp.float32)
    W3 = jax.random.normal(ks[6], (LAYERS[2], LAYERS[3]), dtype=jnp.float32) * (1.0 / np.sqrt(LAYERS[2]))
    b3 = jnp.zeros((LAYERS[3],), dtype=jnp.float32)
    Wo = jax.random.normal(ks[7], (LAYERS[3], 1), dtype=jnp.float32) * (1.0 / np.sqrt(LAYERS[3]))
    bo = jnp.zeros((1,), dtype=jnp.float32)
    return {
        'users': users, 'items': items,
        'user_table': user_table, 'movie_table': movie_table,
        'bn_gamma': bn_gamma, 'bn_beta': bn_beta, 'bn_mean': bn_mean, 'bn_var': bn_var,
        'W1': W1, 'b1': b1, 'W2': W2, 'b2': b2, 'W3': W3, 'b3': b3, 'Wo': Wo, 'bo': bo,
    }


def reference(users, items, user_table, movie_table, bn_gamma, bn_beta, bn_mean, bn_var,
              W1, b1, W2, b2, W3, b3, Wo, bo):
    # Embedding lookups (SparseCore gather)
    user_embedding = jnp.take(user_table, users, axis=0)
    item_embedding = jnp.take(movie_table, items, axis=0)
    x = jnp.concatenate([user_embedding, item_embedding], axis=1)
    # BatchNorm1d in eval mode with running stats
    x = bn_gamma * (x - bn_mean) / jnp.sqrt(bn_var + BN_EPS) + bn_beta
    # MLP stack (dropout is identity in eval mode)
    x = jax.nn.relu(x @ W1 + b1)
    x = jax.nn.relu(x @ W2 + b2)
    x = jax.nn.relu(x @ W3 + b3)
    rating = x @ Wo + bo
    return rating

if __name__ == "__main__":
    import jax
    _d = setup_inputs()
    print(jax.jit(kernel)(*tuple(_d.values())))

</pallas_src>

<mosaic_0001>
#map = affine_map<(d0, d1) -> (0, 0, 0)>
#map1 = affine_map<(d0, d1) -> (0, 0)>
#map2 = affine_map<(d0, d1) -> (0, 0, 0, 0, 0)>
module attributes {stable_mosaic.version = 14 : i64} {
  func.func @_gather_embeddings(%arg0: i32, %arg1: i32, %arg2: memref<32x4x128xi32, #tpu.memory_space<hbm>>, %arg3: memref<32x4x128xi32, #tpu.memory_space<hbm>>, %arg4: memref<1000000x32xf32, #tpu.memory_space<hbm>>, %arg5: memref<1000000x32xf32, #tpu.memory_space<hbm>>, %arg6: memref<32x4x128x2x32xf32, #tpu.memory_space<hbm>>, %arg7: memref<4x128xi32, #tpu.memory_space<vmem>>, %arg8: memref<4x128xi32, #tpu.memory_space<vmem>>, %arg9: memref<4x128x32xf32, #tpu.memory_space<vmem>>, %arg10: memref<4x128x32xf32, #tpu.memory_space<vmem>>, %arg11: memref<!tpu.dma_semaphore, #tpu.memory_space<semaphore_mem>>) attributes {dimension_semantics = [#tpu.dimension_semantics<core_parallel>, #tpu.dimension_semantics<subcore_parallel>], iteration_bounds = array<i64: 2, 16>, scalar_prefetch = 0 : i64, scratch_operands = 5 : i64, tpu.core_type = #tpu.core_type<sc_vector_subcore>, window_params = [{transform_indices = #map}, {transform_indices = #map}, {transform_indices = #map1}, {transform_indices = #map1}, {transform_indices = #map2}]} {
    %mul3A = arith.constant 2 : i32
    %mul3A_0 = arith.muli %arg1, %mul3A : i32
    %add3A = arith.addi %mul3A_0, %arg0 : i32
    "tpu.region"() ({
      %run_scoped3A_214 = tpu.sem_alloc : memref<!tpu.dma_semaphore, #tpu.memory_space<semaphore_mem>>
      %dma_start3A_215 = arith.constant 0 : i32
      %dma_start3A_216 = arith.constant 0 : i32
      %dma_start3A_217 = tpu.memref_slice %arg2[%add3A, %dma_start3A_215, %dma_start3A_216] : memref<32x4x128xi32, #tpu.memory_space<hbm>> -> memref<1x4x128xi32, #tpu.memory_space<hbm>>
      %dma_start3A_218 = tpu.memref_squeeze %dma_start3A_217 : memref<1x4x128xi32, #tpu.memory_space<hbm>> -> memref<4x128xi32, #tpu.memory_space<hbm>>
      %dma_start3A_219 = arith.constant 0 : i32
      %dma_start3A_220 = arith.constant 0 : i32
      %dma_start3A_221 = tpu.memref_slice %arg2[%add3A, %dma_start3A_219, %dma_start3A_220] : memref<32x4x128xi32, #tpu.memory_space<hbm>> -> memref<1x4x128xi32, #tpu.memory_space<hbm>>
      %dma_start3A_222 = tpu.memref_squeeze %dma_start3A_221 : memref<1x4x128xi32, #tpu.memory_space<hbm>> -> memref<4x128xi32, #tpu.memory_space<hbm>>
      tpu.enqueue_dma source(%dma_start3A_222 : memref<4x128xi32, #tpu.memory_space<hbm>>) target(%arg7 : memref<4x128xi32, #tpu.memory_space<vmem>>) target_semaphore(%run_scoped3A_214 : memref<!tpu.dma_semaphore, #tpu.memory_space<semaphore_mem>>)
      %dma_wait3A_223 = arith.constant 0 : i32
      %dma_wait3A_224 = arith.constant 0 : i32
      %dma_wait3A_225 = tpu.memref_slice %arg2[%add3A, %dma_wait3A_223, %dma_wait3A_224] : memref<32x4x128xi32, #tpu.memory_space<hbm>> -> memref<1x4x128xi32, #tpu.memory_space<hbm>>
      %dma_wait3A_226 = tpu.memref_squeeze %dma_wait3A_225 : memref<1x4x128xi32, #tpu.memory_space<hbm>> -> memref<4x128xi32, #tpu.memory_space<hbm>>
      %dma_wait3A_227 = arith.constant 0 : i32
      %dma_wait3A_228 = arith.constant 0 : i32
      %dma_wait3A_229 = tpu.memref_slice %arg2[%add3A, %dma_wait3A_227, %dma_wait3A_228] : memref<32x4x128xi32, #tpu.memory_space<hbm>> -> memref<1x4x128xi32, #tpu.memory_space<hbm>>
      %dma_wait3A_230 = tpu.memref_squeeze %dma_wait3A_229 : memref<1x4x128xi32, #tpu.memory_space<hbm>> -> memref<4x128xi32, #tpu.memory_space<hbm>>
      tpu.wait_dma2 semaphore(%run_scoped3A_214 : memref<!tpu.dma_semaphore, #tpu.memory_space<semaphore_mem>>) src(%dma_wait3A_230 : memref<4x128xi32, #tpu.memory_space<hbm>>) dst(%arg7 : memref<4x128xi32, #tpu.memory_space<vmem>>)
      tpu.yield
    }) : () -> ()
    "tpu.region"() ({
      %run_scoped3A_214 = tpu.sem_alloc : memref<!tpu.dma_semaphore, #tpu.memory_space<semaphore_mem>>
      %dma_start3A_215 = arith.constant 0 : i32
      %dma_start3A_216 = arith.constant 0 : i32
      %dma_start3A_217 = tpu.memref_slice %arg3[%add3A, %dma_start3A_215, %dma_start3A_216] : memref<32x4x128xi32, #tpu.memory_space<hbm>> -> memref<1x4x128xi32, #tpu.memory_space<hbm>>
      %dma_start3A_218 = tpu.memref_squeeze %dma_start3A_217 : memref<1x4x128xi32, #tpu.memory_space<hbm>> -> memref<4x128xi32, #tpu.memory_space<hbm>>
      %dma_start3A_219 = arith.constant 0 : i32
      %dma_start3A_220 = arith.constant 0 : i32
      %dma_start3A_221 = tpu.memref_slice %arg3[%add3A, %dma_start3A_219, %dma_start3A_220] : memref<32x4x128xi32, #tpu.memory_space<hbm>> -> memref<1x4x128xi32, #tpu.memory_space<hbm>>
      %dma_start3A_222 = tpu.memref_squeeze %dma_start3A_221 : memref<1x4x128xi32, #tpu.memory_space<hbm>> -> memref<4x128xi32, #tpu.memory_space<hbm>>
      tpu.enqueue_dma source(%dma_start3A_222 : memref<4x128xi32, #tpu.memory_space<hbm>>) target(%arg8 : memref<4x128xi32, #tpu.memory_space<vmem>>) target_semaphore(%run_scoped3A_214 : memref<!tpu.dma_semaphore, #tpu.memory_space<semaphore_mem>>)
      %dma_wait3A_223 = arith.constant 0 : i32
      %dma_wait3A_224 = arith.constant 0 : i32
      %dma_wait3A_225 = tpu.memref_slice %arg3[%add3A, %dma_wait3A_223, %dma_wait3A_224] : memref<32x4x128xi32, #tpu.memory_space<hbm>> -> memref<1x4x128xi32, #tpu.memory_space<hbm>>
      %dma_wait3A_226 = tpu.memref_squeeze %dma_wait3A_225 : memref<1x4x128xi32, #tpu.memory_space<hbm>> -> memref<4x128xi32, #tpu.memory_space<hbm>>
      %dma_wait3A_227 = arith.constant 0 : i32
      %dma_wait3A_228 = arith.constant 0 : i32
      %dma_wait3A_229 = tpu.memref_slice %arg3[%add3A, %dma_wait3A_227, %dma_wait3A_228] : memref<32x4x128xi32, #tpu.memory_space<hbm>> -> memref<1x4x128xi32, #tpu.memory_space<hbm>>
      %dma_wait3A_230 = tpu.memref_squeeze %dma_wait3A_229 : memref<1x4x128xi32, #tpu.memory_space<hbm>> -> memref<4x128xi32, #tpu.memory_space<hbm>>
      tpu.wait_dma2 semaphore(%run_scoped3A_214 : memref<!tpu.dma_semaphore, #tpu.memory_space<semaphore_mem>>) src(%dma_wait3A_230 : memref<4x128xi32, #tpu.memory_space<hbm>>) dst(%arg8 : memref<4x128xi32, #tpu.memory_space<vmem>>)
      tpu.yield
    }) : () -> ()
    %dma_start3A = arith.constant 0 : i32
    %dma_start3A_1 = arith.constant 0 : i32
    %dma_start3A_2 = arith.constant 0 : i32
    %dma_start3A_3 = arith.constant 0 : i32
    %dma_start3A_4 = tpu.memref_slice %arg9[%dma_start3A_1, %dma_start3A_2, %dma_start3A_3] : memref<4x128x32xf32, #tpu.memory_space<vmem>> -> memref<1x128x32xf32, #tpu.memory_space<vmem>>
    %dma_start3A_5 = tpu.memref_squeeze %dma_start3A_4 : memref<1x128x32xf32, #tpu.memory_space<vmem>> -> memref<128x32xf32, #tpu.memory_space<vmem>>
    %dma_start3A_6 = arith.constant 0 : i32
    %dma_start3A_7 = tpu.memref_slice %arg7[%dma_start3A, %dma_start3A_6] : memref<4x128xi32, #tpu.memory_space<vmem>> -> memref<1x128xi32, #tpu.memory_space<vmem>>
    %dma_start3A_8 = tpu.memref_squeeze %dma_start3A_7 : memref<1x128xi32, #tpu.memory_space<vmem>> -> memref<128xi32, #tpu.memory_space<vmem>>
    %dma_start3A_9 = arith.constant 0 : i32
    %dma_start3A_10 = arith.constant 0 : i32
    %dma_start3A_11 = tpu.memref_slice %arg4[%dma_start3A_9, %dma_start3A_10] : memref<1000000x32xf32, #tpu.memory_space<hbm>> -> memref<1000000x32xf32, #tpu.memory_space<hbm>>
    tpu.enqueue_indirect_dma source(%dma_start3A_11 : memref<1000000x32xf32, #tpu.memory_space<hbm>>) target(%dma_start3A_5 : memref<128x32xf32, #tpu.memory_space<vmem>>) offsets(%dma_start3A_8 : memref<128xi32, #tpu.memory_space<vmem>>) semaphore(%arg11 : memref<!tpu.dma_semaphore, #tpu.memory_space<semaphore_mem>>)
    %dma_start3A_12 = arith.constant 0 : i32
    %dma_start3A_13 = arith.constant 0 : i32
    %dma_start3A_14 = arith.constant 0 : i32
    %dma_start3A_15 = arith.constant 0 : i32
    %dma_start3A_16 = tpu.memref_slice %arg10[%dma_start3A_13, %dma_start3A_14, %dma_start3A_15] : memref<4x128x32xf32, #tpu.memory_space<vmem>> -> memref<1x128x32xf32, #tpu.memory_space<vmem>>
    %dma_start3A_17 = tpu.memref_squeeze %dma_start3A_16 : memref<1x128x32xf32, #tpu.memory_space<vmem>> -> memref<128x32xf32, #tpu.memory_space<vmem>>
    %dma_start3A_18 = arith.constant 0 : i32
    %dma_start3A_19 = tpu.memref_slice %arg8[%dma_start3A_12, %dma_start3A_18] : memref<4x128xi32, #tpu.memory_space<vmem>> -> memref<1x128xi32, #tpu.memory_space<vmem>>
    %dma_start3A_20 = tpu.memref_squeeze %dma_start3A_19 : memref<1x128xi32, #tpu.memory_space<vmem>> -> memref<128xi32, #tpu.memory_space<vmem>>
    %dma_start3A_21 = arith.constant 0 : i32
    %dma_start3A_22 = arith.constant 0 : i32
    %dma_start3A_23 = tpu.memref_slice %arg5[%dma_start3A_21, %dma_start3A_22] : memref<1000000x32xf32, #tpu.memory_space<hbm>> -> memref<1000000x32xf32, #tpu.memory_space<hbm>>
    tpu.enqueue_indirect_dma source(%dma_start3A_23 : memref<1000000x32xf32, #tpu.memory_space<hbm>>) target(%dma_start3A_17 : memref<128x32xf32, #tpu.memory_space<vmem>>) offsets(%dma_start3A_20 : memref<128xi32, #tpu.memory_space<vmem>>) semaphore(%arg11 : memref<!tpu.dma_semaphore, #tpu.memory_space<semaphore_mem>>)
    %dma_start3A_24 = arith.constant 1 : i32
    %dma_start3A_25 = arith.constant 1 : i32
    %dma_start3A_26 = arith.constant 0 : i32
    %dma_start3A_27 = arith.constant 0 : i32
    %dma_start3A_28 = tpu.memref_slice %arg9[%dma_start3A_25, %dma_start3A_26, %dma_start3A_27] : memref<4x128x32xf32, #tpu.memory_space<vmem>> -> memref<1x128x32xf32, #tpu.memory_space<vmem>>
    %dma_start3A_29 = tpu.memref_squeeze %dma_start3A_28 : memref<1x128x32xf32, #tpu.memory_space<vmem>> -> memref<128x32xf32, #tpu.memory_space<vmem>>
    %dma_start3A_30 = arith.constant 0 : i32
    %dma_start3A_31 = tpu.memref_slice %arg7[%dma_start3A_24, %dma_start3A_30] : memref<4x128xi32, #tpu.memory_space<vmem>> -> memref<1x128xi32, #tpu.memory_space<vmem>>
    %dma_start3A_32 = tpu.memref_squeeze %dma_start3A_31 : memref<1x128xi32, #tpu.memory_space<vmem>> -> memref<128xi32, #tpu.memory_space<vmem>>
    %dma_start3A_33 = arith.constant 0 : i32
    %dma_start3A_34 = arith.constant 0 : i32
    %dma_start3A_35 = tpu.memref_slice %arg4[%dma_start3A_33, %dma_start3A_34] : memref<1000000x32xf32, #tpu.memory_space<hbm>> -> memref<1000000x32xf32, #tpu.memory_space<hbm>>
    tpu.enqueue_indirect_dma source(%dma_start3A_35 : memref<1000000x32xf32, #tpu.memory_space<hbm>>) target(%dma_start3A_29 : memref<128x32xf32, #tpu.memory_space<vmem>>) offsets(%dma_start3A_32 : memref<128xi32, #tpu.memory_space<vmem>>) semaphore(%arg11 : memref<!tpu.dma_semaphore, #tpu.memory_space<semaphore_mem>>)
    %dma_start3A_36 = arith.constant 1 : i32
    %dma_start3A_37 = arith.constant 1 : i32
    %dma_start3A_38 = arith.constant 0 : i32
    %dma_start3A_39 = arith.constant 0 : i32
    %dma_start3A_40 = tpu.memref_slice %arg10[%dma_start3A_37, %dma_start3A_38, %dma_start3A_39] : memref<4x128x32xf32, #tpu.memory_space<vmem>> -> memref<1x128x32xf32, #tpu.memory_space<vmem>>
    %dma_start3A_41 = tpu.memref_squeeze %dma_start3A_40 : memref<1x128x32xf32, #tpu.memory_space<vmem>> -> memref<128x32xf32, #tpu.memory_space<vmem>>
    %dma_start3A_42 = arith.constant 0 : i32
    %dma_start3A_43 = tpu.memref_slice %arg8[%dma_start3A_36, %dma_start3A_42] : memref<4x128xi32, #tpu.memory_space<vmem>> -> memref<1x128xi32, #tpu.memory_space<vmem>>
    %dma_start3A_44 = tpu.memref_squeeze %dma_start3A_43 : memref<1x128xi32, #tpu.memory_space<vmem>> -> memref<128xi32, #tpu.memory_space<vmem>>
    %dma_start3A_45 = arith.constant 0 : i32
    %dma_start3A_46 = arith.constant 0 : i32
    %dma_start3A_47 = tpu.memref_slice %arg5[%dma_start3A_45, %dma_start3A_46] : memref<1000000x32xf32, #tpu.memory_space<hbm>> -> memref<1000000x32xf32, #tpu.memory_space<hbm>>
    tpu.enqueue_indirect_dma source(%dma_start3A_47 : memref<1000000x32xf32, #tpu.memory_space<hbm>>) target(%dma_start3A_41 : memref<128x32xf32, #tpu.memory_space<vmem>>) offsets(%dma_start3A_44 : memref<128xi32, #tpu.memory_space<vmem>>) semaphore(%arg11 : memref<!tpu.dma_semaphore, #tpu.memory_space<semaphore_mem>>)
    %dma_start3A_48 = arith.constant 2 : i32
    %dma_start3A_49 = arith.constant 2 : i32
    %dma_start3A_50 = arith.constant 0 : i32
    %dma_start3A_51 = arith.constant 0 : i32
    %dma_start3A_52 = tpu.memref_slice %arg9[%dma_start3A_49, %dma_start3A_50, %dma_start3A_51] : memref<4x128x32xf32, #tpu.memory_space<vmem>> -> memref<1x128x32xf32, #tpu.memory_space<vmem>>
    %dma_start3A_53 = tpu.memref_squeeze %dma_start3A_52 : memref<1x128x32xf32, #tpu.memory_space<vmem>> -> memref<128x32xf32, #tpu.memory_space<vmem>>
    %dma_start3A_54 = arith.constant 0 : i32
    %dma_start3A_55 = tpu.memref_slice %arg7[%dma_start3A_48, %dma_start3A_54] : memref<4x128xi32, #tpu.memory_space<vmem>> -> memref<1x128xi32, #tpu.memory_space<vmem>>
    %dma_start3A_56 = tpu.memref_squeeze %dma_start3A_55 : memref<1x128xi32, #tpu.memory_space<vmem>> -> memref<128xi32, #tpu.memory_space<vmem>>
    %dma_start3A_57 = arith.constant 0 : i32
    %dma_start3A_58 = arith.constant 0 : i32
    %dma_start3A_59 = tpu.memref_slice %arg4[%dma_start3A_57, %dma_start3A_58] : memref<1000000x32xf32, #tpu.memory_space<hbm>> -> memref<1000000x32xf32, #tpu.memory_space<hbm>>
    tpu.enqueue_indirect_dma source(%dma_start3A_59 : memref<1000000x32xf32, #tpu.memory_space<hbm>>) target(%dma_start3A_53 : memref<128x32xf32, #tpu.memory_space<vmem>>) offsets(%dma_start3A_56 : memref<128xi32, #tpu.memory_space<vmem>>) semaphore(%arg11 : memref<!tpu.dma_semaphore, #tpu.memory_space<semaphore_mem>>)
    %dma_start3A_60 = arith.constant 2 : i32
    %dma_start3A_61 = arith.constant 2 : i32
    %dma_start3A_62 = arith.constant 0 : i32
    %dma_start3A_63 = arith.constant 0 : i32
    %dma_start3A_64 = tpu.memref_slice %arg10[%dma_start3A_61, %dma_start3A_62, %dma_start3A_63] : memref<4x128x32xf32, #tpu.memory_space<vmem>> -> memref<1x128x32xf32, #tpu.memory_space<vmem>>
    %dma_start3A_65 = tpu.memref_squeeze %dma_start3A_64 : memref<1x128x32xf32, #tpu.memory_space<vmem>> -> memref<128x32xf32, #tpu.memory_space<vmem>>
    %dma_start3A_66 = arith.constant 0 : i32
    %dma_start3A_67 = tpu.memref_slice %arg8[%dma_start3A_60, %dma_start3A_66] : memref<4x128xi32, #tpu.memory_space<vmem>> -> memref<1x128xi32, #tpu.memory_space<vmem>>
    %dma_start3A_68 = tpu.memref_squeeze %dma_start3A_67 : memref<1x128xi32, #tpu.memory_space<vmem>> -> memref<128xi32, #tpu.memory_space<vmem>>
    %dma_start3A_69 = arith.constant 0 : i32
    %dma_start3A_70 = arith.constant 0 : i32
    %dma_start3A_71 = tpu.memref_slice %arg5[%dma_start3A_69, %dma_start3A_70] : memref<1000000x32xf32, #tpu.memory_space<hbm>> -> memref<1000000x32xf32, #tpu.memory_space<hbm>>
    tpu.enqueue_indirect_dma source(%dma_start3A_71 : memref<1000000x32xf32, #tpu.memory_space<hbm>>) target(%dma_start3A_65 : memref<128x32xf32, #tpu.memory_space<vmem>>) offsets(%dma_start3A_68 : memref<128xi32, #tpu.memory_space<vmem>>) semaphore(%arg11 : memref<!tpu.dma_semaphore, #tpu.memory_space<semaphore_mem>>)
    %dma_start3A_72 = arith.constant 3 : i32
    %dma_start3A_73 = arith.constant 3 : i32
    %dma_start3A_74 = arith.constant 0 : i32
    %dma_start3A_75 = arith.constant 0 : i32
    %dma_start3A_76 = tpu.memref_slice %arg9[%dma_start3A_73, %dma_start3A_74, %dma_start3A_75] : memref<4x128x32xf32, #tpu.memory_space<vmem>> -> memref<1x128x32xf32, #tpu.memory_space<vmem>>
    %dma_start3A_77 = tpu.memref_squeeze %dma_start3A_76 : memref<1x128x32xf32, #tpu.memory_space<vmem>> -> memref<128x32xf32, #tpu.memory_space<vmem>>
    %dma_start3A_78 = arith.constant 0 : i32
    %dma_start3A_79 = tpu.memref_slice %arg7[%dma_start3A_72, %dma_start3A_78] : memref<4x128xi32, #tpu.memory_space<vmem>> -> memref<1x128xi32, #tpu.memory_space<vmem>>
    %dma_start3A_80 = tpu.memref_squeeze %dma_start3A_79 : memref<1x128xi32, #tpu.memory_space<vmem>> -> memref<128xi32, #tpu.memory_space<vmem>>
    %dma_start3A_81 = arith.constant 0 : i32
    %dma_start3A_82 = arith.constant 0 : i32
    %dma_start3A_83 = tpu.memref_slice %arg4[%dma_start3A_81, %dma_start3A_82] : memref<1000000x32xf32, #tpu.memory_space<hbm>> -> memref<1000000x32xf32, #tpu.memory_space<hbm>>
    tpu.enqueue_indirect_dma source(%dma_start3A_83 : memref<1000000x32xf32, #tpu.memory_space<hbm>>) target(%dma_start3A_77 : memref<128x32xf32, #tpu.memory_space<vmem>>) offsets(%dma_start3A_80 : memref<128xi32, #tpu.memory_space<vmem>>) semaphore(%arg11 : memref<!tpu.dma_semaphore, #tpu.memory_space<semaphore_mem>>)
    %dma_start3A_84 = arith.constant 3 : i32
    %dma_start3A_85 = arith.constant 3 : i32
    %dma_start3A_86 = arith.constant 0 : i32
    %dma_start3A_87 = arith.constant 0 : i32
    %dma_start3A_88 = tpu.memref_slice %arg10[%dma_start3A_85, %dma_start3A_86, %dma_start3A_87] : memref<4x128x32xf32, #tpu.memory_space<vmem>> -> memref<1x128x32xf32, #tpu.memory_space<vmem>>
    %dma_start3A_89 = tpu.memref_squeeze %dma_start3A_88 : memref<1x128x32xf32, #tpu.memory_space<vmem>> -> memref<128x32xf32, #tpu.memory_space<vmem>>
    %dma_start3A_90 = arith.constant 0 : i32
    %dma_start3A_91 = tpu.memref_slice %arg8[%dma_start3A_84, %dma_start3A_90] : memref<4x128xi32, #tpu.memory_space<vmem>> -> memref<1x128xi32, #tpu.memory_space<vmem>>
    %dma_start3A_92 = tpu.memref_squeeze %dma_start3A_91 : memref<1x128xi32, #tpu.memory_space<vmem>> -> memref<128xi32, #tpu.memory_space<vmem>>
    %dma_start3A_93 = arith.constant 0 : i32
    %dma_start3A_94 = arith.constant 0 : i32
    %dma_start3A_95 = tpu.memref_slice %arg5[%dma_start3A_93, %dma_start3A_94] : memref<1000000x32xf32, #tpu.memory_space<hbm>> -> memref<1000000x32xf32, #tpu.memory_space<hbm>>
    tpu.enqueue_indirect_dma source(%dma_start3A_95 : memref<1000000x32xf32, #tpu.memory_space<hbm>>) target(%dma_start3A_89 : memref<128x32xf32, #tpu.memory_space<vmem>>) offsets(%dma_start3A_92 : memref<128xi32, #tpu.memory_space<vmem>>) semaphore(%arg11 : memref<!tpu.dma_semaphore, #tpu.memory_space<semaphore_mem>>)
    %dma_wait3A = arith.constant 0 : i32
    %dma_wait3A_96 = arith.constant 0 : i32
    %dma_wait3A_97 = arith.constant 0 : i32
    %dma_wait3A_98 = arith.constant 0 : i32
    %dma_wait3A_99 = tpu.memref_slice %arg9[%dma_wait3A_96, %dma_wait3A_97, %dma_wait3A_98] : memref<4x128x32xf32, #tpu.memory_space<vmem>> -> memref<1x128x32xf32, #tpu.memory_space<vmem>>
    %dma_wait3A_100 = tpu.memref_squeeze %dma_wait3A_99 : memref<1x128x32xf32, #tpu.memory_space<vmem>> -> memref<128x32xf32, #tpu.memory_space<vmem>>
    %dma_wait3A_101 = arith.constant 0 : i32
    %dma_wait3A_102 = tpu.memref_slice %arg7[%dma_wait3A, %dma_wait3A_101] : memref<4x128xi32, #tpu.memory_space<vmem>> -> memref<1x128xi32, #tpu.memory_space<vmem>>
    %dma_wait3A_103 = tpu.memref_squeeze %dma_wait3A_102 : memref<1x128xi32, #tpu.memory_space<vmem>> -> memref<128xi32, #tpu.memory_space<vmem>>
    %dma_wait3A_104 = arith.constant 0 : i32
    %dma_wait3A_105 = arith.constant 0 : i32
    %dma_wait3A_106 = tpu.memref_slice %arg4[%dma_wait3A_104, %dma_wait3A_105] : memref<1000000x32xf32, #tpu.memory_space<hbm>> -> memref<1000000x32xf32, #tpu.memory_space<hbm>>
    tpu.wait_indirect_dma semaphore(%arg11 : memref<!tpu.dma_semaphore, #tpu.memory_space<semaphore_mem>>) src(%dma_wait3A_106 : memref<1000000x32xf32, #tpu.memory_space<hbm>>) dst(%dma_wait3A_100 : memref<128x32xf32, #tpu.memory_space<vmem>>)
    %dma_wait3A_107 = arith.constant 0 : i32
    %dma_wait3A_108 = arith.constant 0 : i32
    %dma_wait3A_109 = arith.constant 0 : i32
    %dma_wait3A_110 = arith.constant 0 : i32
    %dma_wait3A_111 = tpu.memref_slice %arg10[%dma_wait3A_108, %dma_wait3A_109, %dma_wait3A_110] : memref<4x128x32xf32, #tpu.memory_space<vmem>> -> memref<1x128x32xf32, #tpu.memory_space<vmem>>
    %dma_wait3A_112 = tpu.memref_squeeze %dma_wait3A_111 : memref<1x128x32xf32, #tpu.memory_space<vmem>> -> memref<128x32xf32, #tpu.memory_space<vmem>>
    %dma_wait3A_113 = arith.constant 0 : i32
    %dma_wait3A_114 = tpu.memref_slice %arg8[%dma_wait3A_107, %dma_wait3A_113] : memref<4x128xi32, #tpu.memory_space<vmem>> -> memref<1x128xi32, #tpu.memory_space<vmem>>
    %dma_wait3A_115 = tpu.memref_squeeze %dma_wait3A_114 : memref<1x128xi32, #tpu.memory_space<vmem>> -> memref<128xi32, #tpu.memory_space<vmem>>
    %dma_wait3A_116 = arith.constant 0 : i32
    %dma_wait3A_117 = arith.constant 0 : i32
    %dma_wait3A_118 = tpu.memref_slice %arg5[%dma_wait3A_116, %dma_wait3A_117] : memref<1000000x32xf32, #tpu.memory_space<hbm>> -> memref<1000000x32xf32, #tpu.memory_space<hbm>>
    tpu.wait_indirect_dma semaphore(%arg11 : memref<!tpu.dma_semaphore, #tpu.memory_space<semaphore_mem>>) src(%dma_wait3A_118 : memref<1000000x32xf32, #tpu.memory_space<hbm>>) dst(%dma_wait3A_112 : memref<128x32xf32, #tpu.memory_space<vmem>>)
    %dma_wait3A_119 = arith.constant 1 : i32
    %dma_wait3A_120 = arith.constant 1 : i32
    %dma_wait3A_121 = arith.constant 0 : i32
    %dma_wait3A_122 = arith.constant 0 : i32
    %dma_wait3A_123 = tpu.memref_slice %arg9[%dma_wait3A_120, %dma_wait3A_121, %dma_wait3A_122] : memref<4x128x32xf32, #tpu.memory_space<vmem>> -> memref<1x128x32xf32, #tpu.memory_space<vmem>>
    %dma_wait3A_124 = tpu.memref_squeeze %dma_wait3A_123 : memref<1x128x32xf32, #tpu.memory_space<vmem>> -> memref<128x32xf32, #tpu.memory_space<vmem>>
    %dma_wait3A_125 = arith.constant 0 : i32
    %dma_wait3A_126 = tpu.memref_slice %arg7[%dma_wait3A_119, %dma_wait3A_125] : memref<4x128xi32, #tpu.memory_space<vmem>> -> memref<1x128xi32, #tpu.memory_space<vmem>>
    %dma_wait3A_127 = tpu.memref_squeeze %dma_wait3A_126 : memref<1x128xi32, #tpu.memory_space<vmem>> -> memref<128xi32, #tpu.memory_space<vmem>>
    %dma_wait3A_128 = arith.constant 0 : i32
    %dma_wait3A_129 = arith.constant 0 : i32
    %dma_wait3A_130 = tpu.memref_slice %arg4[%dma_wait3A_128, %dma_wait3A_129] : memref<1000000x32xf32, #tpu.memory_space<hbm>> -> memref<1000000x32xf32, #tpu.memory_space<hbm>>
    tpu.wait_indirect_dma semaphore(%arg11 : memref<!tpu.dma_semaphore, #tpu.memory_space<semaphore_mem>>) src(%dma_wait3A_130 : memref<1000000x32xf32, #tpu.memory_space<hbm>>) dst(%dma_wait3A_124 : memref<128x32xf32, #tpu.memory_space<vmem>>)
    %dma_wait3A_131 = arith.constant 1 : i32
    %dma_wait3A_132 = arith.constant 1 : i32
    %dma_wait3A_133 = arith.constant 0 : i32
    %dma_wait3A_134 = arith.constant 0 : i32
    %dma_wait3A_135 = tpu.memref_slice %arg10[%dma_wait3A_132, %dma_wait3A_133, %dma_wait3A_134] : memref<4x128x32xf32, #tpu.memory_space<vmem>> -> memref<1x128x32xf32, #tpu.memory_space<vmem>>
    %dma_wait3A_136 = tpu.memref_squeeze %dma_wait3A_135 : memref<1x128x32xf32, #tpu.memory_space<vmem>> -> memref<128x32xf32, #tpu.memory_space<vmem>>
    %dma_wait3A_137 = arith.constant 0 : i32
    %dma_wait3A_138 = tpu.memref_slice %arg8[%dma_wait3A_131, %dma_wait3A_137] : memref<4x128xi32, #tpu.memory_space<vmem>> -> memref<1x128xi32, #tpu.memory_space<vmem>>
    %dma_wait3A_139 = tpu.memref_squeeze %dma_wait3A_138 : memref<1x128xi32, #tpu.memory_space<vmem>> -> memref<128xi32, #tpu.memory_space<vmem>>
    %dma_wait3A_140 = arith.constant 0 : i32
    %dma_wait3A_141 = arith.constant 0 : i32
    %dma_wait3A_142 = tpu.memref_slice %arg5[%dma_wait3A_140, %dma_wait3A_141] : memref<1000000x32xf32, #tpu.memory_space<hbm>> -> memref<1000000x32xf32, #tpu.memory_space<hbm>>
    tpu.wait_indirect_dma semaphore(%arg11 : memref<!tpu.dma_semaphore, #tpu.memory_space<semaphore_mem>>) src(%dma_wait3A_142 : memref<1000000x32xf32, #tpu.memory_space<hbm>>) dst(%dma_wait3A_136 : memref<128x32xf32, #tpu.memory_space<vmem>>)
    %dma_wait3A_143 = arith.constant 2 : i32
    %dma_wait3A_144 = arith.constant 2 : i32
    %dma_wait3A_145 = arith.constant 0 : i32
    %dma_wait3A_146 = arith.constant 0 : i32
    %dma_wait3A_147 = tpu.memref_slice %arg9[%dma_wait3A_144, %dma_wait3A_145, %dma_wait3A_146] : memref<4x128x32xf32, #tpu.memory_space<vmem>> -> memref<1x128x32xf32, #tpu.memory_space<vmem>>
    %dma_wait3A_148 = tpu.memref_squeeze %dma_wait3A_147 : memref<1x128x32xf32, #tpu.memory_space<vmem>> -> memref<128x32xf32, #tpu.memory_space<vmem>>
    %dma_wait3A_149 = arith.constant 0 : i32
    %dma_wait3A_150 = tpu.memref_slice %arg7[%dma_wait3A_143, %dma_wait3A_149] : memref<4x128xi32, #tpu.memory_space<vmem>> -> memref<1x128xi32, #tpu.memory_space<vmem>>
    %dma_wait3A_151 = tpu.memref_squeeze %dma_wait3A_150 : memref<1x128xi32, #tpu.memory_space<vmem>> -> memref<128xi32, #tpu.memory_space<vmem>>
    %dma_wait3A_152 = arith.constant 0 : i32
    %dma_wait3A_153 = arith.constant 0 : i32
    %dma_wait3A_154 = tpu.memref_slice %arg4[%dma_wait3A_152, %dma_wait3A_153] : memref<1000000x32xf32, #tpu.memory_space<hbm>> -> memref<1000000x32xf32, #tpu.memory_space<hbm>>
    tpu.wait_indirect_dma semaphore(%arg11 : memref<!tpu.dma_semaphore, #tpu.memory_space<semaphore_mem>>) src(%dma_wait3A_154 : memref<1000000x32xf32, #tpu.memory_space<hbm>>) dst(%dma_wait3A_148 : memref<128x32xf32, #tpu.memory_space<vmem>>)
    %dma_wait3A_155 = arith.constant 2 : i32
    %dma_wait3A_156 = arith.constant 2 : i32
    %dma_wait3A_157 = arith.constant 0 : i32
    %dma_wait3A_158 = arith.constant 0 : i32
    %dma_wait3A_159 = tpu.memref_slice %arg10[%dma_wait3A_156, %dma_wait3A_157, %dma_wait3A_158] : memref<4x128x32xf32, #tpu.memory_space<vmem>> -> memref<1x128x32xf32, #tpu.memory_space<vmem>>
    %dma_wait3A_160 = tpu.memref_squeeze %dma_wait3A_159 : memref<1x128x32xf32, #tpu.memory_space<vmem>> -> memref<128x32xf32, #tpu.memory_space<vmem>>
    %dma_wait3A_161 = arith.constant 0 : i32
    %dma_wait3A_162 = tpu.memref_slice %arg8[%dma_wait3A_155, %dma_wait3A_161] : memref<4x128xi32, #tpu.memory_space<vmem>> -> memref<1x128xi32, #tpu.memory_space<vmem>>
    %dma_wait3A_163 = tpu.memref_squeeze %dma_wait3A_162 : memref<1x128xi32, #tpu.memory_space<vmem>> -> memref<128xi32, #tpu.memory_space<vmem>>
    %dma_wait3A_164 = arith.constant 0 : i32
    %dma_wait3A_165 = arith.constant 0 : i32
    %dma_wait3A_166 = tpu.memref_slice %arg5[%dma_wait3A_164, %dma_wait3A_165] : memref<1000000x32xf32, #tpu.memory_space<hbm>> -> memref<1000000x32xf32, #tpu.memory_space<hbm>>
    tpu.wait_indirect_dma semaphore(%arg11 : memref<!tpu.dma_semaphore, #tpu.memory_space<semaphore_mem>>) src(%dma_wait3A_166 : memref<1000000x32xf32, #tpu.memory_space<hbm>>) dst(%dma_wait3A_160 : memref<128x32xf32, #tpu.memory_space<vmem>>)
    %dma_wait3A_167 = arith.constant 3 : i32
    %dma_wait3A_168 = arith.constant 3 : i32
    %dma_wait3A_169 = arith.constant 0 : i32
    %dma_wait3A_170 = arith.constant 0 : i32
    %dma_wait3A_171 = tpu.memref_slice %arg9[%dma_wait3A_168, %dma_wait3A_169, %dma_wait3A_170] : memref<4x128x32xf32, #tpu.memory_space<vmem>> -> memref<1x128x32xf32, #tpu.memory_space<vmem>>
    %dma_wait3A_172 = tpu.memref_squeeze %dma_wait3A_171 : memref<1x128x32xf32, #tpu.memory_space<vmem>> -> memref<128x32xf32, #tpu.memory_space<vmem>>
    %dma_wait3A_173 = arith.constant 0 : i32
    %dma_wait3A_174 = tpu.memref_slice %arg7[%dma_wait3A_167, %dma_wait3A_173] : memref<4x128xi32, #tpu.memory_space<vmem>> -> memref<1x128xi32, #tpu.memory_space<vmem>>
    %dma_wait3A_175 = tpu.memref_squeeze %dma_wait3A_174 : memref<1x128xi32, #tpu.memory_space<vmem>> -> memref<128xi32, #tpu.memory_space<vmem>>
    %dma_wait3A_176 = arith.constant 0 : i32
    %dma_wait3A_177 = arith.constant 0 : i32
    %dma_wait3A_178 = tpu.memref_slice %arg4[%dma_wait3A_176, %dma_wait3A_177] : memref<1000000x32xf32, #tpu.memory_space<hbm>> -> memref<1000000x32xf32, #tpu.memory_space<hbm>>
    tpu.wait_indirect_dma semaphore(%arg11 : memref<!tpu.dma_semaphore, #tpu.memory_space<semaphore_mem>>) src(%dma_wait3A_178 : memref<1000000x32xf32, #tpu.memory_space<hbm>>) dst(%dma_wait3A_172 : memref<128x32xf32, #tpu.memory_space<vmem>>)
    %dma_wait3A_179 = arith.constant 3 : i32
    %dma_wait3A_180 = arith.constant 3 : i32
    %dma_wait3A_181 = arith.constant 0 : i32
    %dma_wait3A_182 = arith.constant 0 : i32
    %dma_wait3A_183 = tpu.memref_slice %arg10[%dma_wait3A_180, %dma_wait3A_181, %dma_wait3A_182] : memref<4x128x32xf32, #tpu.memory_space<vmem>> -> memref<1x128x32xf32, #tpu.memory_space<vmem>>
    %dma_wait3A_184 = tpu.memref_squeeze %dma_wait3A_183 : memref<1x128x32xf32, #tpu.memory_space<vmem>> -> memref<128x32xf32, #tpu.memory_space<vmem>>
    %dma_wait3A_185 = arith.constant 0 : i32
    %dma_wait3A_186 = tpu.memref_slice %arg8[%dma_wait3A_179, %dma_wait3A_185] : memref<4x128xi32, #tpu.memory_space<vmem>> -> memref<1x128xi32, #tpu.memory_space<vmem>>
    %dma_wait3A_187 = tpu.memref_squeeze %dma_wait3A_186 : memref<1x128xi32, #tpu.memory_space<vmem>> -> memref<128xi32, #tpu.memory_space<vmem>>
    %dma_wait3A_188 = arith.constant 0 : i32
    %dma_wait3A_189 = arith.constant 0 : i32
    %dma_wait3A_190 = tpu.memref_slice %arg5[%dma_wait3A_188, %dma_wait3A_189] : memref<1000000x32xf32, #tpu.memory_space<hbm>> -> memref<1000000x32xf32, #tpu.memory_space<hbm>>
    tpu.wait_indirect_dma semaphore(%arg11 : memref<!tpu.dma_semaphore, #tpu.memory_space<semaphore_mem>>) src(%dma_wait3A_190 : memref<1000000x32xf32, #tpu.memory_space<hbm>>) dst(%dma_wait3A_184 : memref<128x32xf32, #tpu.memory_space<vmem>>)
    %run_scoped3A = arith.constant 0 : i32
    %run_scoped3A_191 = arith.constant 0 : i32
    %run_scoped3A_192 = arith.constant 0 : i32
    "tpu.region"() ({
      %run_scoped3A_214 = tpu.sem_alloc : memref<!tpu.dma_semaphore, #tpu.memory_space<semaphore_mem>>
      %dma_start3A_215 = arith.constant 0 : i32
      %dma_start3A_216 = arith.constant 0 : i32
      %dma_start3A_217 = tpu.memref_slice %arg9[%run_scoped3A, %dma_start3A_215, %dma_start3A_216] : memref<4x128x32xf32, #tpu.memory_space<vmem>> -> memref<1x128x32xf32, #tpu.memory_space<vmem>>
      %dma_start3A_218 = tpu.memref_squeeze %dma_start3A_217 : memref<1x128x32xf32, #tpu.memory_space<vmem>> -> memref<128x32xf32, #tpu.memory_space<vmem>>
      %dma_start3A_219 = arith.constant 0 : i32
      %dma_start3A_220 = arith.constant 0 : i32
      %dma_start3A_221 = tpu.memref_slice %arg6[%add3A, %run_scoped3A_191, %dma_start3A_219, %run_scoped3A_192, %dma_start3A_220] : memref<32x4x128x2x32xf32, #tpu.memory_space<hbm>> -> memref<1x1x128x1x32xf32, #tpu.memory_space<hbm>>
      %dma_start3A_222 = tpu.memref_squeeze %dma_start3A_221 : memref<1x1x128x1x32xf32, #tpu.memory_space<hbm>> -> memref<128x32xf32, #tpu.memory_space<hbm>>
      %dma_start3A_223 = arith.constant 0 : i32
      %dma_start3A_224 = arith.constant 0 : i32
      %dma_start3A_225 = tpu.memref_slice %arg6[%add3A, %run_scoped3A_191, %dma_start3A_223, %run_scoped3A_192, %dma_start3A_224] : memref<32x4x128x2x32xf32, #tpu.memory_space<hbm>> -> memref<1x1x128x1x32xf32, #tpu.memory_space<hbm>>
      %dma_start3A_226 = tpu.memref_squeeze %dma_start3A_225 : memref<1x1x128x1x32xf32, #tpu.memory_space<hbm>> -> memref<128x32xf32, #tpu.memory_space<hbm>>
      %dma_start3A_227 = arith.constant 0 : i32
      %dma_start3A_228 = arith.constant 0 : i32
      %dma_start3A_229 = tpu.memref_slice %arg9[%run_scoped3A, %dma_start3A_227, %dma_start3A_228] : memref<4x128x32xf32, #tpu.memory_space<vmem>> -> memref<1x128x32xf32, #tpu.memory_space<vmem>>
      %dma_start3A_230 = tpu.memref_squeeze %dma_start3A_229 : memref<1x128x32xf32, #tpu.memory_space<vmem>> -> memref<128x32xf32, #tpu.memory_space<vmem>>
      tpu.enqueue_dma source(%dma_start3A_230 : memref<128x32xf32, #tpu.memory_space<vmem>>) target(%dma_start3A_226 : memref<128x32xf32, #tpu.memory_space<hbm>>) target_semaphore(%run_scoped3A_214 : memref<!tpu.dma_semaphore, #tpu.memory_space<semaphore_mem>>)
      %dma_wait3A_231 = arith.constant 0 : i32
      %dma_wait3A_232 = arith.constant 0 : i32
      %dma_wait3A_233 = tpu.memref_slice %arg9[%run_scoped3A, %dma_wait3A_231, %dma_wait3A_232] : memref<4x128x32xf32, #tpu.memory_space<vmem>> -> memref<1x128x32xf32, #tpu.memory_space<vmem>>
      %dma_wait3A_234 = tpu.memref_squeeze %dma_wait3A_233 : memref<1x128x32xf32, #tpu.memory_space<vmem>> -> memref<128x32xf32, #tpu.memory_space<vmem>>
      %dma_wait3A_235 = arith.constant 0 : i32
      %dma_wait3A_236 = arith.constant 0 : i32
      %dma_wait3A_237 = tpu.memref_slice %arg6[%add3A, %run_scoped3A_191, %dma_wait3A_235, %run_scoped3A_192, %dma_wait3A_236] : memref<32x4x128x2x32xf32, #tpu.memory_space<hbm>> -> memref<1x1x128x1x32xf32, #tpu.memory_space<hbm>>
      %dma_wait3A_238 = tpu.memref_squeeze %dma_wait3A_237 : memref<1x1x128x1x32xf32, #tpu.memory_space<hbm>> -> memref<128x32xf32, #tpu.memory_space<hbm>>
      %dma_wait3A_239 = arith.constant 0 : i32
      %dma_wait3A_240 = arith.constant 0 : i32
      %dma_wait3A_241 = tpu.memref_slice %arg6[%add3A, %run_scoped3A_191, %dma_wait3A_239, %run_scoped3A_192, %dma_wait3A_240] : memref<32x4x128x2x32xf32, #tpu.memory_space<hbm>> -> memref<1x1x128x1x32xf32, #tpu.memory_space<hbm>>
      %dma_wait3A_242 = tpu.memref_squeeze %dma_wait3A_241 : memref<1x1x128x1x32xf32, #tpu.memory_space<hbm>> -> memref<128x32xf32, #tpu.memory_space<hbm>>
      %dma_wait3A_243 = arith.constant 0 : i32
      %dma_wait3A_244 = arith.constant 0 : i32
      %dma_wait3A_245 = tpu.memref_slice %arg9[%run_scoped3A, %dma_wait3A_243, %dma_wait3A_244] : memref<4x128x32xf32, #tpu.memory_space<vmem>> -> memref<1x128x32xf32, #tpu.memory_space<vmem>>
      %dma_wait3A_246 = tpu.memref_squeeze %dma_wait3A_245 : memref<1x128x32xf32, #tpu.memory_space<vmem>> -> memref<128x32xf32, #tpu.memory_space<vmem>>
      tpu.wait_dma2 semaphore(%run_scoped3A_214 : memref<!tpu.dma_semaphore, #tpu.memory_space<semaphore_mem>>) src(%dma_wait3A_246 : memref<128x32xf32, #tpu.memory_space<vmem>>) dst(%dma_wait3A_242 : memref<128x32xf32, #tpu.memory_space<hbm>>)
      tpu.yield
    }) : () -> ()
    %run_scoped3A_193 = arith.constant 0 : i32
    %run_scoped3A_194 = arith.constant 0 : i32
    %run_scoped3A_195 = arith.constant 1 : i32
    "tpu.region"() ({
      %run_scoped3A_214 = tpu.sem_alloc : memref<!tpu.dma_semaphore, #tpu.memory_space<semaphore_mem>>
      %dma_start3A_215 = arith.constant 0 : i32
      %dma_start3A_216 = arith.constant 0 : i32
      %dma_start3A_217 = tpu.memref_slice %arg10[%run_scoped3A_193, %dma_start3A_215, %dma_start3A_216] : memref<4x128x32xf32, #tpu.memory_space<vmem>> -> memref<1x128x32xf32, #tpu.memory_space<vmem>>
      %dma_start3A_218 = tpu.memref_squeeze %dma_start3A_217 : memref<1x128x32xf32, #tpu.memory_space<vmem>> -> memref<128x32xf32, #tpu.memory_space<vmem>>
      %dma_start3A_219 = arith.constant 0 : i32
      %dma_start3A_220 = arith.constant 0 : i32
      %dma_start3A_221 = tpu.memref_slice %arg6[%add3A, %run_scoped3A_194, %dma_start3A_219, %run_scoped3A_195, %dma_start3A_220] : memref<32x4x128x2x32xf32, #tpu.memory_space<hbm>> -> memref<1x1x128x1x32xf32, #tpu.memory_space<hbm>>
      %dma_start3A_222 = tpu.memref_squeeze %dma_start3A_221 : memref<1x1x128x1x32xf32, #tpu.memory_space<hbm>> -> memref<128x32xf32, #tpu.memory_space<hbm>>
      %dma_start3A_223 = arith.constant 0 : i32
      %dma_start3A_224 = arith.constant 0 : i32
      %dma_start3A_225 = tpu.memref_slice %arg6[%add3A, %run_scoped3A_194, %dma_start3A_223, %run_scoped3A_195, %dma_start3A_224] : memref<32x4x128x2x32xf32, #tpu.memory_space<hbm>> -> memref<1x1x128x1x32xf32, #tpu.memory_space<hbm>>
      %dma_start3A_226 = tpu.memref_squeeze %dma_start3A_225 : memref<1x1x128x1x32xf32, #tpu.memory_space<hbm>> -> memref<128x32xf32, #tpu.memory_space<hbm>>
      %dma_start3A_227 = arith.constant 0 : i32
      %dma_start3A_228 = arith.constant 0 : i32
      %dma_start3A_229 = tpu.memref_slice %arg10[%run_scoped3A_193, %dma_start3A_227, %dma_start3A_228] : memref<4x128x32xf32, #tpu.memory_space<vmem>> -> memref<1x128x32xf32, #tpu.memory_space<vmem>>
      %dma_start3A_230 = tpu.memref_squeeze %dma_start3A_229 : memref<1x128x32xf32, #tpu.memory_space<vmem>> -> memref<128x32xf32, #tpu.memory_space<vmem>>
      tpu.enqueue_dma source(%dma_start3A_230 : memref<128x32xf32, #tpu.memory_space<vmem>>) target(%dma_start3A_226 : memref<128x32xf32, #tpu.memory_space<hbm>>) target_semaphore(%run_scoped3A_214 : memref<!tpu.dma_semaphore, #tpu.memory_space<semaphore_mem>>)
      %dma_wait3A_231 = arith.constant 0 : i32
      %dma_wait3A_232 = arith.constant 0 : i32
      %dma_wait3A_233 = tpu.memref_slice %arg10[%run_scoped3A_193, %dma_wait3A_231, %dma_wait3A_232] : memref<4x128x32xf32, #tpu.memory_space<vmem>> -> memref<1x128x32xf32, #tpu.memory_space<vmem>>
      %dma_wait3A_234 = tpu.memref_squeeze %dma_wait3A_233 : memref<1x128x32xf32, #tpu.memory_space<vmem>> -> memref<128x32xf32, #tpu.memory_space<vmem>>
      %dma_wait3A_235 = arith.constant 0 : i32
      %dma_wait3A_236 = arith.constant 0 : i32
      %dma_wait3A_237 = tpu.memref_slice %arg6[%add3A, %run_scoped3A_194, %dma_wait3A_235, %run_scoped3A_195, %dma_wait3A_236] : memref<32x4x128x2x32xf32, #tpu.memory_space<hbm>> -> memref<1x1x128x1x32xf32, #tpu.memory_space<hbm>>
      %dma_wait3A_238 = tpu.memref_squeeze %dma_wait3A_237 : memref<1x1x128x1x32xf32, #tpu.memory_space<hbm>> -> memref<128x32xf32, #tpu.memory_space<hbm>>
      %dma_wait3A_239 = arith.constant 0 : i32
      %dma_wait3A_240 = arith.constant 0 : i32
      %dma_wait3A_241 = tpu.memref_slice %arg6[%add3A, %run_scoped3A_194, %dma_wait3A_239, %run_scoped3A_195, %dma_wait3A_240] : memref<32x4x128x2x32xf32, #tpu.memory_space<hbm>> -> memref<1x1x128x1x32xf32, #tpu.memory_space<hbm>>
      %dma_wait3A_242 = tpu.memref_squeeze %dma_wait3A_241 : memref<1x1x128x1x32xf32, #tpu.memory_space<hbm>> -> memref<128x32xf32, #tpu.memory_space<hbm>>
      %dma_wait3A_243 = arith.constant 0 : i32
      %dma_wait3A_244 = arith.constant 0 : i32
      %dma_wait3A_245 = tpu.memref_slice %arg10[%run_scoped3A_193, %dma_wait3A_243, %dma_wait3A_244] : memref<4x128x32xf32, #tpu.memory_space<vmem>> -> memref<1x128x32xf32, #tpu.memory_space<vmem>>
      %dma_wait3A_246 = tpu.memref_squeeze %dma_wait3A_245 : memref<1x128x32xf32, #tpu.memory_space<vmem>> -> memref<128x32xf32, #tpu.memory_space<vmem>>
      tpu.wait_dma2 semaphore(%run_scoped3A_214 : memref<!tpu.dma_semaphore, #tpu.memory_space<semaphore_mem>>) src(%dma_wait3A_246 : memref<128x32xf32, #tpu.memory_space<vmem>>) dst(%dma_wait3A_242 : memref<128x32xf32, #tpu.memory_space<hbm>>)
      tpu.yield
    }) : () -> ()
    %run_scoped3A_196 = arith.constant 1 : i32
    %run_scoped3A_197 = arith.constant 1 : i32
    %run_scoped3A_198 = arith.constant 0 : i32
    "tpu.region"() ({
      %run_scoped3A_214 = tpu.sem_alloc : memref<!tpu.dma_semaphore, #tpu.memory_space<semaphore_mem>>
      %dma_start3A_215 = arith.constant 0 : i32
      %dma_start3A_216 = arith.constant 0 : i32
      %dma_start3A_217 = tpu.memref_slice %arg9[%run_scoped3A_196, %dma_start3A_215, %dma_start3A_216] : memref<4x128x32xf32, #tpu.memory_space<vmem>> -> memref<1x128x32xf32, #tpu.memory_space<vmem>>
      %dma_start3A_218 = tpu.memref_squeeze %dma_start3A_217 : memref<1x128x32xf32, #tpu.memory_space<vmem>> -> memref<128x32xf32, #tpu.memory_space<vmem>>
      %dma_start3A_219 = arith.constant 0 : i32
      %dma_start3A_220 = arith.constant 0 : i32
      %dma_start3A_221 = tpu.memref_slice %arg6[%add3A, %run_scoped3A_197, %dma_start3A_219, %run_scoped3A_198, %dma_start3A_220] : memref<32x4x128x2x32xf32, #tpu.memory_space<hbm>> -> memref<1x1x128x1x32xf32, #tpu.memory_space<hbm>>
      %dma_start3A_222 = tpu.memref_squeeze %dma_start3A_221 : memref<1x1x128x1x32xf32, #tpu.memory_space<hbm>> -> memref<128x32xf32, #tpu.memory_space<hbm>>
      %dma_start3A_223 = arith.constant 0 : i32
      %dma_start3A_224 = arith.constant 0 : i32
      %dma_start3A_225 = tpu.memref_slice %arg6[%add3A, %run_scoped3A_197, %dma_start3A_223, %run_scoped3A_198, %dma_start3A_224] : memref<32x4x128x2x32xf32, #tpu.memory_space<hbm>> -> memref<1x1x128x1x32xf32, #tpu.memory_space<hbm>>
      %dma_start3A_226 = tpu.memref_squeeze %dma_start3A_225 : memref<1x1x128x1x32xf32, #tpu.memory_space<hbm>> -> memref<128x32xf32, #tpu.memory_space<hbm>>
      %dma_start3A_227 = arith.constant 0 : i32
      %dma_start3A_228 = arith.constant 0 : i32
      %dma_start3A_229 = tpu.memref_slice %arg9[%run_scoped3A_196, %dma_start3A_227, %dma_start3A_228] : memref<4x128x32xf32, #tpu.memory_space<vmem>> -> memref<1x128x32xf32, #tpu.memory_space<vmem>>
      %dma_start3A_230 = tpu.memref_squeeze %dma_start3A_229 : memref<1x128x32xf32, #tpu.memory_space<vmem>> -> memref<128x32xf32, #tpu.memory_space<vmem>>
      tpu.enqueue_dma source(%dma_start3A_230 : memref<128x32xf32, #tpu.memory_space<vmem>>) target(%dma_start3A_226 : memref<128x32xf32, #tpu.memory_space<hbm>>) target_semaphore(%run_scoped3A_214 : memref<!tpu.dma_semaphore, #tpu.memory_space<semaphore_mem>>)
      %dma_wait3A_231 = arith.constant 0 : i32
      %dma_wait3A_232 = arith.constant 0 : i32
      %dma_wait3A_233 = tpu.memref_slice %arg9[%run_scoped3A_196, %dma_wait3A_231, %dma_wait3A_232] : memref<4x128x32xf32, #tpu.memory_space<vmem>> -> memref<1x128x32xf32, #tpu.memory_space<vmem>>
      %dma_wait3A_234 = tpu.memref_squeeze %dma_wait3A_233 : memref<1x128x32xf32, #tpu.memory_space<vmem>> -> memref<128x32xf32, #tpu.memory_space<vmem>>
      %dma_wait3A_235 = arith.constant 0 : i32
      %dma_wait3A_236 = arith.constant 0 : i32
      %dma_wait3A_237 = tpu.memref_slice %arg6[%add3A, %run_scoped3A_197, %dma_wait3A_235, %run_scoped3A_198, %dma_wait3A_236] : memref<32x4x128x2x32xf32, #tpu.memory_space<hbm>> -> memref<1x1x128x1x32xf32, #tpu.memory_space<hbm>>
      %dma_wait3A_238 = tpu.memref_squeeze %dma_wait3A_237 : memref<1x1x128x1x32xf32, #tpu.memory_space<hbm>> -> memref<128x32xf32, #tpu.memory_space<hbm>>
      %dma_wait3A_239 = arith.constant 0 : i32
      %dma_wait3A_240 = arith.constant 0 : i32
      %dma_wait3A_241 = tpu.memref_slice %arg6[%add3A, %run_scoped3A_197, %dma_wait3A_239, %run_scoped3A_198, %dma_wait3A_240] : memref<32x4x128x2x32xf32, #tpu.memory_space<hbm>> -> memref<1x1x128x1x32xf32, #tpu.memory_space<hbm>>
      %dma_wait3A_242 = tpu.memref_squeeze %dma_wait3A_241 : memref<1x1x128x1x32xf32, #tpu.memory_space<hbm>> -> memref<128x32xf32, #tpu.memory_space<hbm>>
      %dma_wait3A_243 = arith.constant 0 : i32
      %dma_wait3A_244 = arith.constant 0 : i32
      %dma_wait3A_245 = tpu.memref_slice %arg9[%run_scoped3A_196, %dma_wait3A_243, %dma_wait3A_244] : memref<4x128x32xf32, #tpu.memory_space<vmem>> -> memref<1x128x32xf32, #tpu.memory_space<vmem>>
      %dma_wait3A_246 = tpu.memref_squeeze %dma_wait3A_245 : memref<1x128x32xf32, #tpu.memory_space<vmem>> -> memref<128x32xf32, #tpu.memory_space<vmem>>
      tpu.wait_dma2 semaphore(%run_scoped3A_214 : memref<!tpu.dma_semaphore, #tpu.memory_space<semaphore_mem>>) src(%dma_wait3A_246 : memref<128x32xf32, #tpu.memory_space<vmem>>) dst(%dma_wait3A_242 : memref<128x32xf32, #tpu.memory_space<hbm>>)
      tpu.yield
    }) : () -> ()
    %run_scoped3A_199 = arith.constant 1 : i32
    %run_scoped3A_200 = arith.constant 1 : i32
    %run_scoped3A_201 = arith.constant 1 : i32
    "tpu.region"() ({
      %run_scoped3A_214 = tpu.sem_alloc : memref<!tpu.dma_semaphore, #tpu.memory_space<semaphore_mem>>
      %dma_start3A_215 = arith.constant 0 : i32
      %dma_start3A_216 = arith.constant 0 : i32
      %dma_start3A_217 = tpu.memref_slice %arg10[%run_scoped3A_199, %dma_start3A_215, %dma_start3A_216] : memref<4x128x32xf32, #tpu.memory_space<vmem>> -> memref<1x128x32xf32, #tpu.memory_space<vmem>>
      %dma_start3A_218 = tpu.memref_squeeze %dma_start3A_217 : memref<1x128x32xf32, #tpu.memory_space<vmem>> -> memref<128x32xf32, #tpu.memory_space<vmem>>
      %dma_start3A_219 = arith.constant 0 : i32
      %dma_start3A_220 = arith.constant 0 : i32
      %dma_start3A_221 = tpu.memref_slice %arg6[%add3A, %run_scoped3A_200, %dma_start3A_219, %run_scoped3A_201, %dma_start3A_220] : memref<32x4x128x2x32xf32, #tpu.memory_space<hbm>> -> memref<1x1x128x1x32xf32, #tpu.memory_space<hbm>>
      %dma_start3A_222 = tpu.memref_squeeze %dma_start3A_221 : memref<1x1x128x1x32xf32, #tpu.memory_space<hbm>> -> memref<128x32xf32, #tpu.memory_space<hbm>>
      %dma_start3A_223 = arith.constant 0 : i32
      %dma_start3A_224 = arith.constant 0 : i32
      %dma_start3A_225 = tpu.memref_slice %arg6[%add3A, %run_scoped3A_200, %dma_start3A_223, %run_scoped3A_201, %dma_start3A_224] : memref<32x4x128x2x32xf32, #tpu.memory_space<hbm>> -> memref<1x1x128x1x32xf32, #tpu.memory_space<hbm>>
      %dma_start3A_226 = tpu.memref_squeeze %dma_start3A_225 : memref<1x1x128x1x32xf32, #tpu.memory_space<hbm>> -> memref<128x32xf32, #tpu.memory_space<hbm>>
      %dma_start3A_227 = arith.constant 0 : i32
      %dma_start3A_228 = arith.constant 0 : i32
      %dma_start3A_229 = tpu.memref_slice %arg10[%run_scoped3A_199, %dma_start3A_227, %dma_start3A_228] : memref<4x128x32xf32, #tpu.memory_space<vmem>> -> memref<1x128x32xf32, #tpu.memory_space<vmem>>
      %dma_start3A_230 = tpu.memref_squeeze %dma_start3A_229 : memref<1x128x32xf32, #tpu.memory_space<vmem>> -> memref<128x32xf32, #tpu.memory_space<vmem>>
      tpu.enqueue_dma source(%dma_start3A_230 : memref<128x32xf32, #tpu.memory_space<vmem>>) target(%dma_start3A_226 : memref<128x32xf32, #tpu.memory_space<hbm>>) target_semaphore(%run_scoped3A_214 : memref<!tpu.dma_semaphore, #tpu.memory_space<semaphore_mem>>)
      %dma_wait3A_231 = arith.constant 0 : i32
      %dma_wait3A_232 = arith.constant 0 : i32
      %dma_wait3A_233 = tpu.memref_slice %arg10[%run_scoped3A_199, %dma_wait3A_231, %dma_wait3A_232] : memref<4x128x32xf32, #tpu.memory_space<vmem>> -> memref<1x128x32xf32, #tpu.memory_space<vmem>>
      %dma_wait3A_234 = tpu.memref_squeeze %dma_wait3A_233 : memref<1x128x32xf32, #tpu.memory_space<vmem>> -> memref<128x32xf32, #tpu.memory_space<vmem>>
      %dma_wait3A_235 = arith.constant 0 : i32
      %dma_wait3A_236 = arith.constant 0 : i32
      %dma_wait3A_237 = tpu.memref_slice %arg6[%add3A, %run_scoped3A_200, %dma_wait3A_235, %run_scoped3A_201, %dma_wait3A_236] : memref<32x4x128x2x32xf32, #tpu.memory_space<hbm>> -> memref<1x1x128x1x32xf32, #tpu.memory_space<hbm>>
      %dma_wait3A_238 = tpu.memref_squeeze %dma_wait3A_237 : memref<1x1x128x1x32xf32, #tpu.memory_space<hbm>> -> memref<128x32xf32, #tpu.memory_space<hbm>>
      %dma_wait3A_239 = arith.constant 0 : i32
      %dma_wait3A_240 = arith.constant 0 : i32
      %dma_wait3A_241 = tpu.memref_slice %arg6[%add3A, %run_scoped3A_200, %dma_wait3A_239, %run_scoped3A_201, %dma_wait3A_240] : memref<32x4x128x2x32xf32, #tpu.memory_space<hbm>> -> memref<1x1x128x1x32xf32, #tpu.memory_space<hbm>>
      %dma_wait3A_242 = tpu.memref_squeeze %dma_wait3A_241 : memref<1x1x128x1x32xf32, #tpu.memory_space<hbm>> -> memref<128x32xf32, #tpu.memory_space<hbm>>
      %dma_wait3A_243 = arith.constant 0 : i32
      %dma_wait3A_244 = arith.constant 0 : i32
      %dma_wait3A_245 = tpu.memref_slice %arg10[%run_scoped3A_199, %dma_wait3A_243, %dma_wait3A_244] : memref<4x128x32xf32, #tpu.memory_space<vmem>> -> memref<1x128x32xf32, #tpu.memory_space<vmem>>
      %dma_wait3A_246 = tpu.memref_squeeze %dma_wait3A_245 : memref<1x128x32xf32, #tpu.memory_space<vmem>> -> memref<128x32xf32, #tpu.memory_space<vmem>>
      tpu.wait_dma2 semaphore(%run_scoped3A_214 : memref<!tpu.dma_semaphore, #tpu.memory_space<semaphore_mem>>) src(%dma_wait3A_246 : memref<128x32xf32, #tpu.memory_space<vmem>>) dst(%dma_wait3A_242 : memref<128x32xf32, #tpu.memory_space<hbm>>)
      tpu.yield
    }) : () -> ()
    %run_scoped3A_202 = arith.constant 2 : i32
    %run_scoped3A_203 = arith.constant 2 : i32
    %run_scoped3A_204 = arith.constant 0 : i32
    "tpu.region"() ({
      %run_scoped3A_214 = tpu.sem_alloc : memref<!tpu.dma_semaphore, #tpu.memory_space<semaphore_mem>>
      %dma_start3A_215 = arith.constant 0 : i32
      %dma_start3A_216 = arith.constant 0 : i32
      %dma_start3A_217 = tpu.memref_slice %arg9[%run_scoped3A_202, %dma_start3A_215, %dma_start3A_216] : memref<4x128x32xf32, #tpu.memory_space<vmem>> -> memref<1x128x32xf32, #tpu.memory_space<vmem>>
      %dma_start3A_218 = tpu.memref_squeeze %dma_start3A_217 : memref<1x128x32xf32, #tpu.memory_space<vmem>> -> memref<128x32xf32, #tpu.memory_space<vmem>>
      %dma_start3A_219 = arith.constant 0 : i32
      %dma_start3A_220 = arith.constant 0 : i32
      %dma_start3A_221 = tpu.memref_slice %arg6[%add3A, %run_scoped3A_203, %dma_start3A_219, %run_scoped3A_204, %dma_start3A_220] : memref<32x4x128x2x32xf32, #tpu.memory_space<hbm>> -> memref<1x1x128x1x32xf32, #tpu.memory_space<hbm>>
      %dma_start3A_222 = tpu.memref_squeeze %dma_start3A_221 : memref<1x1x128x1x32xf32, #tpu.memory_space<hbm>> -> memref<128x32xf32, #tpu.memory_space<hbm>>
      %dma_start3A_223 = arith.constant 0 : i32
      %dma_start3A_224 = arith.constant 0 : i32
      %dma_start3A_225 = tpu.memref_slice %arg6[%add3A, %run_scoped3A_203, %dma_start3A_223, %run_scoped3A_204, %dma_start3A_224] : memref<32x4x128x2x32xf32, #tpu.memory_space<hbm>> -> memref<1x1x128x1x32xf32, #tpu.memory_space<hbm>>
      %dma_start3A_226 = tpu.memref_squeeze %dma_start3A_225 : memref<1x1x128x1x32xf32, #tpu.memory_space<hbm>> -> memref<128x32xf32, #tpu.memory_space<hbm>>
      %dma_start3A_227 = arith.constant 0 : i32
      %dma_start3A_228 = arith.constant 0 : i32
      %dma_start3A_229 = tpu.memref_slice %arg9[%run_scoped3A_202, %dma_start3A_227, %dma_start3A_228] : memref<4x128x32xf32, #tpu.memory_space<vmem>> -> memref<1x128x32xf32, #tpu.memory_space<vmem>>
      %dma_start3A_230 = tpu.memref_squeeze %dma_start3A_229 : memref<1x128x32xf32, #tpu.memory_space<vmem>> -> memref<128x32xf32, #tpu.memory_space<vmem>>
      tpu.enqueue_dma source(%dma_start3A_230 : memref<128x32xf32, #tpu.memory_space<vmem>>) target(%dma_start3A_226 : memref<128x32xf32, #tpu.memory_space<hbm>>) target_semaphore(%run_scoped3A_214 : memref<!tpu.dma_semaphore, #tpu.memory_space<semaphore_mem>>)
      %dma_wait3A_231 = arith.constant 0 : i32
      %dma_wait3A_232 = arith.constant 0 : i32
      %dma_wait3A_233 = tpu.memref_slice %arg9[%run_scoped3A_202, %dma_wait3A_231, %dma_wait3A_232] : memref<4x128x32xf32, #tpu.memory_space<vmem>> -> memref<1x128x32xf32, #tpu.memory_space<vmem>>
      %dma_wait3A_234 = tpu.memref_squeeze %dma_wait3A_233 : memref<1x128x32xf32, #tpu.memory_space<vmem>> -> memref<128x32xf32, #tpu.memory_space<vmem>>
      %dma_wait3A_235 = arith.constant 0 : i32
      %dma_wait3A_236 = arith.constant 0 : i32
      %dma_wait3A_237 = tpu.memref_slice %arg6[%add3A, %run_scoped3A_203, %dma_wait3A_235, %run_scoped3A_204, %dma_wait3A_236] : memref<32x4x128x2x32xf32, #tpu.memory_space<hbm>> -> memref<1x1x128x1x32xf32, #tpu.memory_space<hbm>>
      %dma_wait3A_238 = tpu.memref_squeeze %dma_wait3A_237 : memref<1x1x128x1x32xf32, #tpu.memory_space<hbm>> -> memref<128x32xf32, #tpu.memory_space<hbm>>
      %dma_wait3A_239 = arith.constant 0 : i32
      %dma_wait3A_240 = arith.constant 0 : i32
      %dma_wait3A_241 = tpu.memref_slice %arg6[%add3A, %run_scoped3A_203, %dma_wait3A_239, %run_scoped3A_204, %dma_wait3A_240] : memref<32x4x128x2x32xf32, #tpu.memory_space<hbm>> -> memref<1x1x128x1x32xf32, #tpu.memory_space<hbm>>
      %dma_wait3A_242 = tpu.memref_squeeze %dma_wait3A_241 : memref<1x1x128x1x32xf32, #tpu.memory_space<hbm>> -> memref<128x32xf32, #tpu.memory_space<hbm>>
      %dma_wait3A_243 = arith.constant 0 : i32
      %dma_wait3A_244 = arith.constant 0 : i32
      %dma_wait3A_245 = tpu.memref_slice %arg9[%run_scoped3A_202, %dma_wait3A_243, %dma_wait3A_244] : memref<4x128x32xf32, #tpu.memory_space<vmem>> -> memref<1x128x32xf32, #tpu.memory_space<vmem>>
      %dma_wait3A_246 = tpu.memref_squeeze %dma_wait3A_245 : memref<1x128x32xf32, #tpu.memory_space<vmem>> -> memref<128x32xf32, #tpu.memory_space<vmem>>
      tpu.wait_dma2 semaphore(%run_scoped3A_214 : memref<!tpu.dma_semaphore, #tpu.memory_space<semaphore_mem>>) src(%dma_wait3A_246 : memref<128x32xf32, #tpu.memory_space<vmem>>) dst(%dma_wait3A_242 : memref<128x32xf32, #tpu.memory_space<hbm>>)
      tpu.yield
    }) : () -> ()
    %run_scoped3A_205 = arith.constant 2 : i32
    %run_scoped3A_206 = arith.constant 2 : i32
    %run_scoped3A_207 = arith.constant 1 : i32
    "tpu.region"() ({
      %run_scoped3A_214 = tpu.sem_alloc : memref<!tpu.dma_semaphore, #tpu.memory_space<semaphore_mem>>
      %dma_start3A_215 = arith.constant 0 : i32
      %dma_start3A_216 = arith.constant 0 : i32
      %dma_start3A_217 = tpu.memref_slice %arg10[%run_scoped3A_205, %dma_start3A_215, %dma_start3A_216] : memref<4x128x32xf32, #tpu.memory_space<vmem>> -> memref<1x128x32xf32, #tpu.memory_space<vmem>>
      %dma_start3A_218 = tpu.memref_squeeze %dma_start3A_217 : memref<1x128x32xf32, #tpu.memory_space<vmem>> -> memref<128x32xf32, #tpu.memory_space<vmem>>
      %dma_start3A_219 = arith.constant 0 : i32
      %dma_start3A_220 = arith.constant 0 : i32
      %dma_start3A_221 = tpu.memref_slice %arg6[%add3A, %run_scoped3A_206, %dma_start3A_219, %run_scoped3A_207, %dma_start3A_220] : memref<32x4x128x2x32xf32, #tpu.memory_space<hbm>> -> memref<1x1x128x1x32xf32, #tpu.memory_space<hbm>>
      %dma_start3A_222 = tpu.memref_squeeze %dma_start3A_221 : memref<1x1x128x1x32xf32, #tpu.memory_space<hbm>> -> memref<128x32xf32, #tpu.memory_space<hbm>>
      %dma_start3A_223 = arith.constant 0 : i32
      %dma_start3A_224 = arith.constant 0 : i32
      %dma_start3A_225 = tpu.memref_slice %arg6[%add3A, %run_scoped3A_206, %dma_start3A_223, %run_scoped3A_207, %dma_start3A_224] : memref<32x4x128x2x32xf32, #tpu.memory_space<hbm>> -> memref<1x1x128x1x32xf32, #tpu.memory_space<hbm>>
      %dma_start3A_226 = tpu.memref_squeeze %dma_start3A_225 : memref<1x1x128x1x32xf32, #tpu.memory_space<hbm>> -> memref<128x32xf32, #tpu.memory_space<hbm>>
      %dma_start3A_227 = arith.constant 0 : i32
      %dma_start3A_228 = arith.constant 0 : i32
      %dma_start3A_229 = tpu.memref_slice %arg10[%run_scoped3A_205, %dma_start3A_227, %dma_start3A_228] : memref<4x128x32xf32, #tpu.memory_space<vmem>> -> memref<1x128x32xf32, #tpu.memory_space<vmem>>
      %dma_start3A_230 = tpu.memref_squeeze %dma_start3A_229 : memref<1x128x32xf32, #tpu.memory_space<vmem>> -> memref<128x32xf32, #tpu.memory_space<vmem>>
      tpu.enqueue_dma source(%dma_start3A_230 : memref<128x32xf32, #tpu.memory_space<vmem>>) target(%dma_start3A_226 : memref<128x32xf32, #tpu.memory_space<hbm>>) target_semaphore(%run_scoped3A_214 : memref<!tpu.dma_semaphore, #tpu.memory_space<semaphore_mem>>)
      %dma_wait3A_231 = arith.constant 0 : i32
      %dma_wait3A_232 = arith.constant 0 : i32
      %dma_wait3A_233 = tpu.memref_slice %arg10[%run_scoped3A_205, %dma_wait3A_231, %dma_wait3A_232] : memref<4x128x32xf32, #tpu.memory_space<vmem>> -> memref<1x128x32xf32, #tpu.memory_space<vmem>>
      %dma_wait3A_234 = tpu.memref_squeeze %dma_wait3A_233 : memref<1x128x32xf32, #tpu.memory_space<vmem>> -> memref<128x32xf32, #tpu.memory_space<vmem>>
      %dma_wait3A_235 = arith.constant 0 : i32
      %dma_wait3A_236 = arith.constant 0 : i32
      %dma_wait3A_237 = tpu.memref_slice %arg6[%add3A, %run_scoped3A_206, %dma_wait3A_235, %run_scoped3A_207, %dma_wait3A_236] : memref<32x4x128x2x32xf32, #tpu.memory_space<hbm>> -> memref<1x1x128x1x32xf32, #tpu.memory_space<hbm>>
      %dma_wait3A_238 = tpu.memref_squeeze %dma_wait3A_237 : memref<1x1x128x1x32xf32, #tpu.memory_space<hbm>> -> memref<128x32xf32, #tpu.memory_space<hbm>>
      %dma_wait3A_239 = arith.constant 0 : i32
      %dma_wait3A_240 = arith.constant 0 : i32
      %dma_wait3A_241 = tpu.memref_slice %arg6[%add3A, %run_scoped3A_206, %dma_wait3A_239, %run_scoped3A_207, %dma_wait3A_240] : memref<32x4x128x2x32xf32, #tpu.memory_space<hbm>> -> memref<1x1x128x1x32xf32, #tpu.memory_space<hbm>>
      %dma_wait3A_242 = tpu.memref_squeeze %dma_wait3A_241 : memref<1x1x128x1x32xf32, #tpu.memory_space<hbm>> -> memref<128x32xf32, #tpu.memory_space<hbm>>
      %dma_wait3A_243 = arith.constant 0 : i32
      %dma_wait3A_244 = arith.constant 0 : i32
      %dma_wait3A_245 = tpu.memref_slice %arg10[%run_scoped3A_205, %dma_wait3A_243, %dma_wait3A_244] : memref<4x128x32xf32, #tpu.memory_space<vmem>> -> memref<1x128x32xf32, #tpu.memory_space<vmem>>
      %dma_wait3A_246 = tpu.memref_squeeze %dma_wait3A_245 : memref<1x128x32xf32, #tpu.memory_space<vmem>> -> memref<128x32xf32, #tpu.memory_space<vmem>>
      tpu.wait_dma2 semaphore(%run_scoped3A_214 : memref<!tpu.dma_semaphore, #tpu.memory_space<semaphore_mem>>) src(%dma_wait3A_246 : memref<128x32xf32, #tpu.memory_space<vmem>>) dst(%dma_wait3A_242 : memref<128x32xf32, #tpu.memory_space<hbm>>)
      tpu.yield
    }) : () -> ()
    %run_scoped3A_208 = arith.constant 3 : i32
    %run_scoped3A_209 = arith.constant 3 : i32
    %run_scoped3A_210 = arith.constant 0 : i32
    "tpu.region"() ({
      %run_scoped3A_214 = tpu.sem_alloc : memref<!tpu.dma_semaphore, #tpu.memory_space<semaphore_mem>>
      %dma_start3A_215 = arith.constant 0 : i32
      %dma_start3A_216 = arith.constant 0 : i32
      %dma_start3A_217 = tpu.memref_slice %arg9[%run_scoped3A_208, %dma_start3A_215, %dma_start3A_216] : memref<4x128x32xf32, #tpu.memory_space<vmem>> -> memref<1x128x32xf32, #tpu.memory_space<vmem>>
      %dma_start3A_218 = tpu.memref_squeeze %dma_start3A_217 : memref<1x128x32xf32, #tpu.memory_space<vmem>> -> memref<128x32xf32, #tpu.memory_space<vmem>>
      %dma_start3A_219 = arith.constant 0 : i32
      %dma_start3A_220 = arith.constant 0 : i32
      %dma_start3A_221 = tpu.memref_slice %arg6[%add3A, %run_scoped3A_209, %dma_start3A_219, %run_scoped3A_210, %dma_start3A_220] : memref<32x4x128x2x32xf32, #tpu.memory_space<hbm>> -> memref<1x1x128x1x32xf32, #tpu.memory_space<hbm>>
      %dma_start3A_222 = tpu.memref_squeeze %dma_start3A_221 : memref<1x1x128x1x32xf32, #tpu.memory_space<hbm>> -> memref<128x32xf32, #tpu.memory_space<hbm>>
      %dma_start3A_223 = arith.constant 0 : i32
      %dma_start3A_224 = arith.constant 0 : i32
      %dma_start3A_225 = tpu.memref_slice %arg6[%add3A, %run_scoped3A_209, %dma_start3A_223, %run_scoped3A_210, %dma_start3A_224] : memref<32x4x128x2x32xf32, #tpu.memory_space<hbm>> -> memref<1x1x128x1x32xf32, #tpu.memory_space<hbm>>
      %dma_start3A_226 = tpu.memref_squeeze %dma_start3A_225 : memref<1x1x128x1x32xf32, #tpu.memory_space<hbm>> -> memref<128x32xf32, #tpu.memory_space<hbm>>
      %dma_start3A_227 = arith.constant 0 : i32
      %dma_start3A_228 = arith.constant 0 : i32
      %dma_start3A_229 = tpu.memref_slice %arg9[%run_scoped3A_208, %dma_start3A_227, %dma_start3A_228] : memref<4x128x32xf32, #tpu.memory_space<vmem>> -> memref<1x128x32xf32, #tpu.memory_space<vmem>>
      %dma_start3A_230 = tpu.memref_squeeze %dma_start3A_229 : memref<1x128x32xf32, #tpu.memory_space<vmem>> -> memref<128x32xf32, #tpu.memory_space<vmem>>
      tpu.enqueue_dma source(%dma_start3A_230 : memref<128x32xf32, #tpu.memory_space<vmem>>) target(%dma_start3A_226 : memref<128x32xf32, #tpu.memory_space<hbm>>) target_semaphore(%run_scoped3A_214 : memref<!tpu.dma_semaphore, #tpu.memory_space<semaphore_mem>>)
      %dma_wait3A_231 = arith.constant 0 : i32
      %dma_wait3A_232 = arith.constant 0 : i32
      %dma_wait3A_233 = tpu.memref_slice %arg9[%run_scoped3A_208, %dma_wait3A_231, %dma_wait3A_232] : memref<4x128x32xf32, #tpu.memory_space<vmem>> -> memref<1x128x32xf32, #tpu.memory_space<vmem>>
      %dma_wait3A_234 = tpu.memref_squeeze %dma_wait3A_233 : memref<1x128x32xf32, #tpu.memory_space<vmem>> -> memref<128x32xf32, #tpu.memory_space<vmem>>
      %dma_wait3A_235 = arith.constant 0 : i32
      %dma_wait3A_236 = arith.constant 0 : i32
      %dma_wait3A_237 = tpu.memref_slice %arg6[%add3A, %run_scoped3A_209, %dma_wait3A_235, %run_scoped3A_210, %dma_wait3A_236] : memref<32x4x128x2x32xf32, #tpu.memory_space<hbm>> -> memref<1x1x128x1x32xf32, #tpu.memory_space<hbm>>
      %dma_wait3A_238 = tpu.memref_squeeze %dma_wait3A_237 : memref<1x1x128x1x32xf32, #tpu.memory_space<hbm>> -> memref<128x32xf32, #tpu.memory_space<hbm>>
      %dma_wait3A_239 = arith.constant 0 : i32
      %dma_wait3A_240 = arith.constant 0 : i32
      %dma_wait3A_241 = tpu.memref_slice %arg6[%add3A, %run_scoped3A_209, %dma_wait3A_239, %run_scoped3A_210, %dma_wait3A_240] : memref<32x4x128x2x32xf32, #tpu.memory_space<hbm>> -> memref<1x1x128x1x32xf32, #tpu.memory_space<hbm>>
      %dma_wait3A_242 = tpu.memref_squeeze %dma_wait3A_241 : memref<1x1x128x1x32xf32, #tpu.memory_space<hbm>> -> memref<128x32xf32, #tpu.memory_space<hbm>>
      %dma_wait3A_243 = arith.constant 0 : i32
      %dma_wait3A_244 = arith.constant 0 : i32
      %dma_wait3A_245 = tpu.memref_slice %arg9[%run_scoped3A_208, %dma_wait3A_243, %dma_wait3A_244] : memref<4x128x32xf32, #tpu.memory_space<vmem>> -> memref<1x128x32xf32, #tpu.memory_space<vmem>>
      %dma_wait3A_246 = tpu.memref_squeeze %dma_wait3A_245 : memref<1x128x32xf32, #tpu.memory_space<vmem>> -> memref<128x32xf32, #tpu.memory_space<vmem>>
      tpu.wait_dma2 semaphore(%run_scoped3A_214 : memref<!tpu.dma_semaphore, #tpu.memory_space<semaphore_mem>>) src(%dma_wait3A_246 : memref<128x32xf32, #tpu.memory_space<vmem>>) dst(%dma_wait3A_242 : memref<128x32xf32, #tpu.memory_space<hbm>>)
      tpu.yield
    }) : () -> ()
    %run_scoped3A_211 = arith.constant 3 : i32
    %run_scoped3A_212 = arith.constant 3 : i32
    %run_scoped3A_213 = arith.constant 1 : i32
    "tpu.region"() ({
      %run_scoped3A_214 = tpu.sem_alloc : memref<!tpu.dma_semaphore, #tpu.memory_space<semaphore_mem>>
      %dma_start3A_215 = arith.constant 0 : i32
      %dma_start3A_216 = arith.constant 0 : i32
      %dma_start3A_217 = tpu.memref_slice %arg10[%run_scoped3A_211, %dma_start3A_215, %dma_start3A_216] : memref<4x128x32xf32, #tpu.memory_space<vmem>> -> memref<1x128x32xf32, #tpu.memory_space<vmem>>
      %dma_start3A_218 = tpu.memref_squeeze %dma_start3A_217 : memref<1x128x32xf32, #tpu.memory_space<vmem>> -> memref<128x32xf32, #tpu.memory_space<vmem>>
      %dma_start3A_219 = arith.constant 0 : i32
      %dma_start3A_220 = arith.constant 0 : i32
      %dma_start3A_221 = tpu.memref_slice %arg6[%add3A, %run_scoped3A_212, %dma_start3A_219, %run_scoped3A_213, %dma_start3A_220] : memref<32x4x128x2x32xf32, #tpu.memory_space<hbm>> -> memref<1x1x128x1x32xf32, #tpu.memory_space<hbm>>
      %dma_start3A_222 = tpu.memref_squeeze %dma_start3A_221 : memref<1x1x128x1x32xf32, #tpu.memory_space<hbm>> -> memref<128x32xf32, #tpu.memory_space<hbm>>
      %dma_start3A_223 = arith.constant 0 : i32
      %dma_start3A_224 = arith.constant 0 : i32
      %dma_start3A_225 = tpu.memref_slice %arg6[%add3A, %run_scoped3A_212, %dma_start3A_223, %run_scoped3A_213, %dma_start3A_224] : memref<32x4x128x2x32xf32, #tpu.memory_space<hbm>> -> memref<1x1x128x1x32xf32, #tpu.memory_space<hbm>>
      %dma_start3A_226 = tpu.memref_squeeze %dma_start3A_225 : memref<1x1x128x1x32xf32, #tpu.memory_space<hbm>> -> memref<128x32xf32, #tpu.memory_space<hbm>>
      %dma_start3A_227 = arith.constant 0 : i32
      %dma_start3A_228 = arith.constant 0 : i32
      %dma_start3A_229 = tpu.memref_slice %arg10[%run_scoped3A_211, %dma_start3A_227, %dma_start3A_228] : memref<4x128x32xf32, #tpu.memory_space<vmem>> -> memref<1x128x32xf32, #tpu.memory_space<vmem>>
      %dma_start3A_230 = tpu.memref_squeeze %dma_start3A_229 : memref<1x128x32xf32, #tpu.memory_space<vmem>> -> memref<128x32xf32, #tpu.memory_space<vmem>>
      tpu.enqueue_dma source(%dma_start3A_230 : memref<128x32xf32, #tpu.memory_space<vmem>>) target(%dma_start3A_226 : memref<128x32xf32, #tpu.memory_space<hbm>>) target_semaphore(%run_scoped3A_214 : memref<!tpu.dma_semaphore, #tpu.memory_space<semaphore_mem>>)
      %dma_wait3A_231 = arith.constant 0 : i32
      %dma_wait3A_232 = arith.constant 0 : i32
      %dma_wait3A_233 = tpu.memref_slice %arg10[%run_scoped3A_211, %dma_wait3A_231, %dma_wait3A_232] : memref<4x128x32xf32, #tpu.memory_space<vmem>> -> memref<1x128x32xf32, #tpu.memory_space<vmem>>
      %dma_wait3A_234 = tpu.memref_squeeze %dma_wait3A_233 : memref<1x128x32xf32, #tpu.memory_space<vmem>> -> memref<128x32xf32, #tpu.memory_space<vmem>>
      %dma_wait3A_235 = arith.constant 0 : i32
      %dma_wait3A_236 = arith.constant 0 : i32
      %dma_wait3A_237 = tpu.memref_slice %arg6[%add3A, %run_scoped3A_212, %dma_wait3A_235, %run_scoped3A_213, %dma_wait3A_236] : memref<32x4x128x2x32xf32, #tpu.memory_space<hbm>> -> memref<1x1x128x1x32xf32, #tpu.memory_space<hbm>>
      %dma_wait3A_238 = tpu.memref_squeeze %dma_wait3A_237 : memref<1x1x128x1x32xf32, #tpu.memory_space<hbm>> -> memref<128x32xf32, #tpu.memory_space<hbm>>
      %dma_wait3A_239 = arith.constant 0 : i32
      %dma_wait3A_240 = arith.constant 0 : i32
      %dma_wait3A_241 = tpu.memref_slice %arg6[%add3A, %run_scoped3A_212, %dma_wait3A_239, %run_scoped3A_213, %dma_wait3A_240] : memref<32x4x128x2x32xf32, #tpu.memory_space<hbm>> -> memref<1x1x128x1x32xf32, #tpu.memory_space<hbm>>
      %dma_wait3A_242 = tpu.memref_squeeze %dma_wait3A_241 : memref<1x1x128x1x32xf32, #tpu.memory_space<hbm>> -> memref<128x32xf32, #tpu.memory_space<hbm>>
      %dma_wait3A_243 = arith.constant 0 : i32
      %dma_wait3A_244 = arith.constant 0 : i32
      %dma_wait3A_245 = tpu.memref_slice %arg10[%run_scoped3A_211, %dma_wait3A_243, %dma_wait3A_244] : memref<4x128x32xf32, #tpu.memory_space<vmem>> -> memref<1x128x32xf32, #tpu.memory_space<vmem>>
      %dma_wait3A_246 = tpu.memref_squeeze %dma_wait3A_245 : memref<1x128x32xf32, #tpu.memory_space<vmem>> -> memref<128x32xf32, #tpu.memory_space<vmem>>
      tpu.wait_dma2 semaphore(%run_scoped3A_214 : memref<!tpu.dma_semaphore, #tpu.memory_space<semaphore_mem>>) src(%dma_wait3A_246 : memref<128x32xf32, #tpu.memory_space<vmem>>) dst(%dma_wait3A_242 : memref<128x32xf32, #tpu.memory_space<hbm>>)
      tpu.yield
    }) : () -> ()
    return
  }
}

module attributes {stable_mosaic.version = 14 : i64} {
  func.func @_mlp_body(%arg0: i32, %arg1: memref<2048x64xf32, #tpu.memory_space<vmem>>, %arg2: memref<1x64xf32, #tpu.memory_space<vmem>>, %arg3: memref<1x64xf32, #tpu.memory_space<vmem>>, %arg4: memref<1x64xf32, #tpu.memory_space<vmem>>, %arg5: memref<1x64xf32, #tpu.memory_space<vmem>>, %arg6: memref<64x32xf32, #tpu.memory_space<vmem>>, %arg7: memref<1x32xf32, #tpu.memory_space<vmem>>, %arg8: memref<32x16xf32, #tpu.memory_space<vmem>>, %arg9: memref<1x16xf32, #tpu.memory_space<vmem>>, %arg10: memref<16x8xf32, #tpu.memory_space<vmem>>, %arg11: memref<1x8xf32, #tpu.memory_space<vmem>>, %arg12: memref<8x1xf32, #tpu.memory_space<vmem>>, %arg13: memref<1x1xf32, #tpu.memory_space<vmem>>, %arg14: memref<2048x1xf32, #tpu.memory_space<vmem>>) attributes {dimension_semantics = [#tpu.dimension_semantics<arbitrary>], iteration_bounds = array<i64: 8>, scalar_prefetch = 0 : i64, scratch_operands = 0 : i64, tpu.core_type = #tpu.core_type<tc>, window_params = [{transform_indices = @transform_0, window_bounds = array<i64: 2048, 64>}, {pipeline_mode = #tpu.pipeline_mode<synchronous>, transform_indices = @transform_1, window_bounds = array<i64: 1, 64>}, {pipeline_mode = #tpu.pipeline_mode<synchronous>, transform_indices = @transform_2, window_bounds = array<i64: 1, 64>}, {pipeline_mode = #tpu.pipeline_mode<synchronous>, transform_indices = @transform_3, window_bounds = array<i64: 1, 64>}, {pipeline_mode = #tpu.pipeline_mode<synchronous>, transform_indices = @transform_4, window_bounds = array<i64: 1, 64>}, {pipeline_mode = #tpu.pipeline_mode<synchronous>, transform_indices = @transform_5, window_bounds = array<i64: 64, 32>}, {pipeline_mode = #tpu.pipeline_mode<synchronous>, transform_indices = @transform_6, window_bounds = array<i64: 1, 32>}, {pipeline_mode = #tpu.pipeline_mode<synchronous>, transform_indices = @transform_7, window_bounds = array<i64: 32, 16>}, {pipeline_mode = #tpu.pipeline_mode<synchronous>, transform_indices = @transform_8, window_bounds = array<i64: 1, 16>}, {pipeline_mode = #tpu.pipeline_mode<synchronous>, transform_indices = @transform_9, window_bounds = array<i64: 16, 8>}, {pipeline_mode = #tpu.pipeline_mode<synchronous>, transform_indices = @transform_10, window_bounds = array<i64: 1, 8>}, {pipeline_mode = #tpu.pipeline_mode<synchronous>, transform_indices = @transform_11, window_bounds = array<i64: 8, 1>}, {pipeline_mode = #tpu.pipeline_mode<synchronous>, transform_indices = @transform_12, window_bounds = array<i64: 1, 1>}, {transform_indices = @transform_13, window_bounds = array<i64: 2048, 1>}]} {
    %get3A = arith.constant 0 : index
    %get3A_0 = arith.constant 0 : index
    %get3A_1 = vector.load %arg2[%get3A, %get3A_0] : memref<1x64xf32, #tpu.memory_space<vmem>>, vector<1x64xf32>
    %get3A_2 = arith.constant 0 : index
    %get3A_3 = arith.constant 0 : index
    %get3A_4 = vector.load %arg5[%get3A_2, %get3A_3] : memref<1x64xf32, #tpu.memory_space<vmem>>, vector<1x64xf32>
    %add3A = arith.constant 9.99999974E-6 : f32
    %add3A_5 = vector.broadcast %add3A : f32 to vector<1x64xf32>
    %add3A_6 = arith.addf %get3A_4, %add3A_5 : vector<1x64xf32>
    %rsqrt3A = math.rsqrt %add3A_6 : vector<1x64xf32>
    %mul3A = arith.mulf %get3A_1, %rsqrt3A : vector<1x64xf32>
    %get3A_7 = arith.constant 0 : index
    %get3A_8 = arith.constant 0 : index
    %get3A_9 = vector.load %arg1[%get3A_7, %get3A_8] : memref<2048x64xf32, #tpu.memory_space<vmem>>, vector<2048x64xf32>
    %mul3A_10 = vector.broadcast %mul3A : vector<1x64xf32> to vector<2048x64xf32>
    %mul3A_11 = arith.mulf %get3A_9, %mul3A_10 : vector<2048x64xf32>
    %get3A_12 = arith.constant 0 : index
    %get3A_13 = arith.constant 0 : index
    %get3A_14 = vector.load %arg3[%get3A_12, %get3A_13] : memref<1x64xf32, #tpu.memory_space<vmem>>, vector<1x64xf32>
    %get3A_15 = arith.constant 0 : index
    %get3A_16 = arith.constant 0 : index
    %get3A_17 = vector.load %arg4[%get3A_15, %get3A_16] : memref<1x64xf32, #tpu.memory_space<vmem>>, vector<1x64xf32>
    %mul3A_18 = arith.mulf %get3A_17, %mul3A : vector<1x64xf32>
    %sub3A = arith.subf %get3A_14, %mul3A_18 : vector<1x64xf32>
    %add3A_19 = vector.broadcast %sub3A : vector<1x64xf32> to vector<2048x64xf32>
    %add3A_20 = arith.addf %mul3A_11, %add3A_19 : vector<2048x64xf32>
    %get3A_21 = arith.constant 0 : index
    %get3A_22 = arith.constant 0 : index
    %get3A_23 = vector.load %arg6[%get3A_21, %get3A_22] : memref<64x32xf32, #tpu.memory_space<vmem>>, vector<64x32xf32>
    %dot_general3A = arith.constant dense<0.000000e+00> : vector<2048x32xf32>
    %dot_general3A_24 = tpu.matmul %add3A_20, %get3A_23, %dot_general3A {dimension_numbers = #tpu.dot_dimension_numbers<[1], [0], [0], [1], [0, 0, 1, 1], [], []>, transpose_lhs_hint = false} : vector<2048x64xf32>, vector<64x32xf32>, vector<2048x32xf32> -> vector<2048x32xf32>
    %get3A_25 = arith.constant 0 : index
    %get3A_26 = arith.constant 0 : index
    %get3A_27 = vector.load %arg7[%get3A_25, %get3A_26] : memref<1x32xf32, #tpu.memory_space<vmem>>, vector<1x32xf32>
    %add3A_28 = vector.broadcast %get3A_27 : vector<1x32xf32> to vector<2048x32xf32>
    %add3A_29 = arith.addf %dot_general3A_24, %add3A_28 : vector<2048x32xf32>
    %max3A = arith.constant 0.000000e+00 : f32
    %max3A_30 = vector.broadcast %max3A : f32 to vector<2048x32xf32>
    %max3A_31 = arith.maximumf %add3A_29, %max3A_30 : vector<2048x32xf32>
    %get3A_32 = arith.constant 0 : index
    %get3A_33 = arith.constant 0 : index
    %get3A_34 = vector.load %arg8[%get3A_32, %get3A_33] : memref<32x16xf32, #tpu.memory_space<vmem>>, vector<32x16xf32>
    %dot_general3A_35 = arith.constant dense<0.000000e+00> : vector<2048x16xf32>
    %dot_general3A_36 = tpu.matmul %max3A_31, %get3A_34, %dot_general3A_35 {dimension_numbers = #tpu.dot_dimension_numbers<[1], [0], [0], [1], [0, 0, 1, 1], [], []>, transpose_lhs_hint = false} : vector<2048x32xf32>, vector<32x16xf32>, vector<2048x16xf32> -> vector<2048x16xf32>
    %get3A_37 = arith.constant 0 : index
    %get3A_38 = arith.constant 0 : index
    %get3A_39 = vector.load %arg9[%get3A_37, %get3A_38] : memref<1x16xf32, #tpu.memory_space<vmem>>, vector<1x16xf32>
    %add3A_40 = vector.broadcast %get3A_39 : vector<1x16xf32> to vector<2048x16xf32>
    %add3A_41 = arith.addf %dot_general3A_36, %add3A_40 : vector<2048x16xf32>
    %max3A_42 = arith.constant 0.000000e+00 : f32
    %max3A_43 = vector.broadcast %max3A_42 : f32 to vector<2048x16xf32>
    %max3A_44 = arith.maximumf %add3A_41, %max3A_43 : vector<2048x16xf32>
    %get3A_45 = arith.constant 0 : index
    %get3A_46 = arith.constant 0 : index
    %get3A_47 = vector.load %arg10[%get3A_45, %get3A_46] : memref<16x8xf32, #tpu.memory_space<vmem>>, vector<16x8xf32>
    %dot_general3A_48 = arith.constant dense<0.000000e+00> : vector<2048x8xf32>
    %dot_general3A_49 = tpu.matmul %max3A_44, %get3A_47, %dot_general3A_48 {dimension_numbers = #tpu.dot_dimension_numbers<[1], [0], [0], [1], [0, 0, 1, 1], [], []>, transpose_lhs_hint = false} : vector<2048x16xf32>, vector<16x8xf32>, vector<2048x8xf32> -> vector<2048x8xf32>
    %get3A_50 = arith.constant 0 : index
    %get3A_51 = arith.constant 0 : index
    %get3A_52 = vector.load %arg11[%get3A_50, %get3A_51] : memref<1x8xf32, #tpu.memory_space<vmem>>, vector<1x8xf32>
    %add3A_53 = vector.broadcast %get3A_52 : vector<1x8xf32> to vector<2048x8xf32>
    %add3A_54 = arith.addf %dot_general3A_49, %add3A_53 : vector<2048x8xf32>
    %max3A_55 = arith.constant 0.000000e+00 : f32
    %max3A_56 = vector.broadcast %max3A_55 : f32 to vector<2048x8xf32>
    %max3A_57 = arith.maximumf %add3A_54, %max3A_56 : vector<2048x8xf32>
    %get3A_58 = arith.constant 0 : index
    %get3A_59 = arith.constant 0 : index
    %get3A_60 = vector.load %arg12[%get3A_58, %get3A_59] : memref<8x1xf32, #tpu.memory_space<vmem>>, vector<8x1xf32>
    %dot_general3A_61 = arith.constant dense<0.000000e+00> : vector<2048x1xf32>
    %dot_general3A_62 = tpu.matmul %max3A_57, %get3A_60, %dot_general3A_61 {dimension_numbers = #tpu.dot_dimension_numbers<[1], [0], [0], [1], [0, 0, 1, 1], [], []>, transpose_lhs_hint = false} : vector<2048x8xf32>, vector<8x1xf32>, vector<2048x1xf32> -> vector<2048x1xf32>
    %get3A_63 = arith.constant 0 : index
    %get3A_64 = arith.constant 0 : index
    %get3A_65 = vector.load %arg13[%get3A_63, %get3A_64] : memref<1x1xf32, #tpu.memory_space<vmem>>, vector<1x1xf32>
    %add3A_66 = vector.broadcast %get3A_65 : vector<1x1xf32> to vector<2048x1xf32>
    %add3A_67 = arith.addf %dot_general3A_62, %add3A_66 : vector<2048x1xf32>
    %swap3A = arith.constant 0 : index
    %swap3A_68 = arith.constant 0 : index
    %swap3A_69 = vector.load %arg14[%swap3A, %swap3A_68] : memref<2048x1xf32, #tpu.memory_space<vmem>>, vector<2048x1xf32>
    tpu.vector_store %arg14[%swap3A, %swap3A_68], %add3A_67 {strides = array<i32>} : memref<2048x1xf32, #tpu.memory_space<vmem>>, vector<2048x1xf32>,
    return
  }
  func.func @transform_0(%arg0: i32) -> (i32, i32) {
    %c0_i32 = arith.constant 0 : i32
    %c0_i32_0 = arith.constant 0 : i32
    return %arg0, %c0_i32 : i32, i32
  }
  func.func @transform_1(%arg0: i32) -> (i32, i32) {
    %c0_i32 = arith.constant 0 : i32
    %c0_i32_0 = arith.constant 0 : i32
    %c0_i32_1 = arith.constant 0 : i32
    return %c0_i32, %c0_i32_0 : i32, i32
  }
  func.func @transform_2(%arg0: i32) -> (i32, i32) {
    %c0_i32 = arith.constant 0 : i32
    %c0_i32_0 = arith.constant 0 : i32
    %c0_i32_1 = arith.constant 0 : i32
    return %c0_i32, %c0_i32_0 : i32, i32
  }
  func.func @transform_3(%arg0: i32) -> (i32, i32) {
    %c0_i32 = arith.constant 0 : i32
    %c0_i32_0 = arith.constant 0 : i32
    %c0_i32_1 = arith.constant 0 : i32
    return %c0_i32, %c0_i32_0 : i32, i32
  }
  func.func @transform_4(%arg0: i32) -> (i32, i32) {
    %c0_i32 = arith.constant 0 : i32
    %c0_i32_0 = arith.constant 0 : i32
    %c0_i32_1 = arith.constant 0 : i32
    return %c0_i32, %c0_i32_0 : i32, i32
  }
  func.func @transform_5(%arg0: i32) -> (i32, i32) {
    %c0_i32 = arith.constant 0 : i32
    %c0_i32_0 = arith.constant 0 : i32
    %c0_i32_1 = arith.constant 0 : i32
    return %c0_i32, %c0_i32_0 : i32, i32
  }
  func.func @transform_6(%arg0: i32) -> (i32, i32) {
    %c0_i32 = arith.constant 0 : i32
    %c0_i32_0 = arith.constant 0 : i32
    %c0_i32_1 = arith.constant 0 : i32
    return %c0_i32, %c0_i32_0 : i32, i32
  }
  func.func @transform_7(%arg0: i32) -> (i32, i32) {
    %c0_i32 = arith.constant 0 : i32
    %c0_i32_0 = arith.constant 0 : i32
    %c0_i32_1 = arith.constant 0 : i32
    return %c0_i32, %c0_i32_0 : i32, i32
  }
  func.func @transform_8(%arg0: i32) -> (i32, i32) {
    %c0_i32 = arith.constant 0 : i32
    %c0_i32_0 = arith.constant 0 : i32
    %c0_i32_1 = arith.constant 0 : i32
    return %c0_i32, %c0_i32_0 : i32, i32
  }
  func.func @transform_9(%arg0: i32) -> (i32, i32) {
    %c0_i32 = arith.constant 0 : i32
    %c0_i32_0 = arith.constant 0 : i32
    %c0_i32_1 = arith.constant 0 : i32
    return %c0_i32, %c0_i32_0 : i32, i32
  }
  func.func @transform_10(%arg0: i32) -> (i32, i32) {
    %c0_i32 = arith.constant 0 : i32
    %c0_i32_0 = arith.constant 0 : i32
    %c0_i32_1 = arith.constant 0 : i32
    return %c0_i32, %c0_i32_0 : i32, i32
  }
  func.func @transform_11(%arg0: i32) -> (i32, i32) {
    %c0_i32 = arith.constant 0 : i32
    %c0_i32_0 = arith.constant 0 : i32
    %c0_i32_1 = arith.constant 0 : i32
    return %c0_i32, %c0_i32_0 : i32, i32
  }
  func.func @transform_12(%arg0: i32) -> (i32, i32) {
    %c0_i32 = arith.constant 0 : i32
    %c0_i32_0 = arith.constant 0 : i32
    %c0_i32_1 = arith.constant 0 : i32
    return %c0_i32, %c0_i32_0 : i32, i32
  }
  func.func @transform_13(%arg0: i32) -> (i32, i32) {
    %c0_i32 = arith.constant 0 : i32
    %c0_i32_0 = arith.constant 0 : i32
    return %arg0, %c0_i32 : i32, i32
  }
}

</mosaic_0001>

<sc_bundles>
// kernel: kernel.4.cloned.1.call-start
scs
__scs_entry_jumppad:
0x0: {  	(pc) =	sbr.rel $0x88, $3  }
0x1: {  	(tag) =	ssettag $0x0;
	lr =	simm.s32 $0x1  }
0x2: {  	[smem:$0x3F91] =	sst lr;
	_ =	strace $0xD0000000  }
0x3: {  	_ = 	snop  }
0x4: {  	_ = 	snop  }
0x5: {  	_ = 	snop  }
0x6: {  	_ = 	snop  }
0x7: {  	_ = 	snop  }
__scs_overlays_trampoline_lowered:
0x8: {  	[smem:$0x3FA0] =	sst s0  }
0x9: {  	[smem:$0x3FA1] =	sst s1  }
0xa: {  	[smem:$0x3FA2] =	sst s2  }
0xb: {  	[smem:$0x3FA3] =	sst s3  }
0xc: {  	[smem:$0x3FA4] =	sst s4  }
0xd: {  	[smem:$0x3FA5] =	sst s5  }
0xe: {  	[smem:$0x3FA6] =	sst s6  }
0xf: {  	[smem:$0x3FA7] =	sst s7  }
0x10: {  	[smem:$0x3FA8] =	sst s8  }
0x11: {  	[smem:$0x3FA9] =	sst s9;
	s0 =	simm.s32 @!p0 $0x0  }
0x12: {  	s1 =	sld [smem:$0x3F8F];
	s0 =	simm.s32 @p0 $0x1  }
0x13: {  	[smem:$0x3FAA] =	sst s0;
	s0 =	simm.s32 @!p1 $0x0  }
0x14: {  	s2 =	sld [smem:$0x3F8E];
	s0 =	simm.s32 @p1 $0x1  }
0x15: {  	[smem:$0x3FAB] =	sst s0;
	s0 =	simm.s32 @!p2 $0x0  }
0x16: {  	s3 =	sld [smem:$0x3FDB];
	s0 =	simm.s32 @p2 $0x1  }
0x17: {  	s4 =	simm.s32 $0x1BF5;
	[smem:$0x3FAD] =	sst s0  }
0x18: {  	s0 =	sld [smem:$0x3F90];
	_ =	swait.ge [sflag:s4], $0x0  }
0x19: {  	s7 =	sld [smem:$0x3F91]  }
0x1a: {  	s8 =	sadd.s32 $0xFFFFE003, lr  }
0x1b: {  	s9 =	sadd.s32 $0xFFFFFEF7, lr;
	s5 =	simm.s32 $0xFFFFFFFF;
	p2 =	slt.u32 s8, $0xFFFFF086  }
0x1c: {  	p1 =	slt.u32 s9, $0xF7A;
	s5 =	simm.s32 @!p2 $0x0  }
0x1d: {  	s5 =	simm.s32 @p1 $0x1;
	p0 =	seq.s32 s7, s2  }
0x1e: {  	s7 =	smul.u32 @!p0 $0xF7A, s2;
	p2 =	seq.s32 @!p0 s5, $0x0  }
0x1f: {  	s9 =	smul.u32 $0xF7A, s1;
	s8 =	simm.s32 @!p0 $0x1BF5;
	p2 =	por !p2, p0  }
0x20: {  	[sflag:s8] =	ssyncset.s32 @!p0 $0xFFFFF086;
	s6 =	sadd.s32 @!p0 s3, s7;
	s7 =	simm.s32 @!p0 $0x108  }
0x21: {  	s3 =	sadd.s32 s3, s9;
	s6 =	sadd.s32 @!p0 $0x88, s6;
	s7 =	simm.s32 @p2 $0x1082  }
0x22: {  	[simem:s7], [sflag:s8] =	dma.local @!p0 [hbm:s6], $0xF7A  }
0x23: {  	s9 =	sor.u32 $0xD0000000, s2;
	s6 =	simm.s32 $0x108;
	_ =	swait.ge @!p0 [sflag:s8], $0x0  }
0x24: {  	s3 =	sadd.s32 $0x88, s3;
	s6 =	simm.s32 @!p1 $0x1082;
	[sflag:s4] =	ssyncset.s32 $0xFFFFF086  }
0x25: {  	[simem:s6], [sflag:s4] =	dma.local [hbm:s3], $0xF7A  }
0x26: {  	[smem:$0x3F91] =	sst s1;
	(tag) =	ssettag s2;
	_ =	strace s9  }
0x27: {  	s1 =	sld [smem:$0x3FA1]  }
0x28: {  	s2 =	sld [smem:$0x3FA2]  }
0x29: {  	s4 =	sld [smem:$0x3FA4]  }
0x2a: {  	p0 =	seq.s32 s5, $0x0;
	s5 =	sld [smem:$0x3FA5]  }
0x2b: {  	s6 =	sld [smem:$0x3FA6]  }
0x2c: {  	s7 =	sld [smem:$0x3FA7]  }
0x2d: {  	s3 =	simm.s32 $0x108;
	s8 =	sld [smem:$0x3FA8]  }
0x2e: {  	s3 =	simm.s32 @!p0 $0x1082;
	s9 =	sld [smem:$0x3FA9]  }
0x2f: {  	lr =	sadd.s32 s0, s3;
	s0 =	sld [smem:$0x3FA0]  }
0x30: {  	s3 =	sld [smem:$0x3FA3]  }
0x31: {  	[smem:$0x3FAC] =	sst s10  }
0x32: {  	s10 =	sld [smem:$0x3FAA];
	_ =	sdelay $0x3  }
0x33: {  	p0 =	seq.s32 s10, $0x1;
	s10 =	sld [smem:$0x3FAC];
	_ =	sdelay $0x3  }
0x34: {  	[smem:$0x3FAC] =	sst s10  }
0x35: {  	s10 =	sld [smem:$0x3FAB];
	_ =	sdelay $0x3  }
0x36: {  	p1 =	seq.s32 s10, $0x1;
	s10 =	sld [smem:$0x3FAC];
	_ =	sdelay $0x3  }
0x37: {  	[smem:$0x3FAC] =	sst s10  }
0x38: {  	s10 =	sld [smem:$0x3FAD]  }
0x39: {  	_ = 	snop;
	(pc) =	sbr.ind lr, $3  }
0x3a: {  	_ = 	snop  }
0x3b: {  	_ = 	snop  }
0x3c: {  	p2 =	seq.s32 s10, $0x1;
	s10 =	sld [smem:$0x3FAC]  }
0x3d: {  	_ =	shalt  }
0x3e: {  	_ =	shalt  }
0x3f: {  	_ =	shalt  }
0x40: {  	_ =	shalt  }
0x41: {  	_ =	shalt  }
0x42: {  	_ =	shalt  }
0x43: {  	_ =	shalt  }
0x44: {  	_ =	shalt  }
0x45: {  	_ =	shalt  }
0x46: {  	_ =	shalt  }
0x47: {  	_ =	shalt  }
0x48: {  	_ =	shalt  }
0x49: {  	_ =	shalt  }
0x4a: {  	_ =	shalt  }
0x4b: {  	_ =	shalt  }
0x4c: {  	_ =	shalt  }
0x4d: {  	_ =	shalt  }
0x4e: {  	_ =	shalt  }
0x4f: {  	_ =	shalt  }
0x50: {  	_ =	shalt  }
0x51: {  	_ =	shalt  }
0x52: {  	_ =	shalt  }
0x53: {  	_ =	shalt  }
0x54: {  	_ =	shalt  }
0x55: {  	_ =	shalt  }
0x56: {  	_ =	shalt  }
0x57: {  	_ =	shalt  }
0x58: {  	_ =	shalt  }
0x59: {  	_ =	shalt  }
0x5a: {  	_ =	shalt  }
0x5b: {  	_ =	shalt  }
0x5c: {  	_ =	shalt  }
0x5d: {  	_ =	shalt  }
0x5e: {  	_ =	shalt  }
0x5f: {  	_ =	shalt  }
0x60: {  	_ =	shalt  }
0x61: {  	_ =	shalt  }
0x62: {  	_ =	shalt  }
0x63: {  	_ =	shalt  }
0x64: {  	_ =	shalt  }
0x65: {  	_ =	shalt  }
0x66: {  	_ =	shalt  }
0x67: {  	_ =	shalt  }
0x68: {  	_ =	shalt  }
0x69: {  	_ =	shalt  }
0x6a: {  	_ =	shalt  }
0x6b: {  	_ =	shalt  }
0x6c: {  	_ =	shalt  }
0x6d: {  	_ =	shalt  }
0x6e: {  	_ =	shalt  }
0x6f: {  	_ =	shalt  }
0x70: {  	_ =	shalt  }
0x71: {  	_ =	shalt  }
0x72: {  	_ =	shalt  }
0x73: {  	_ =	shalt  }
0x74: {  	_ =	shalt  }
0x75: {  	_ =	shalt  }
0x76: {  	_ =	shalt  }
0x77: {  	_ =	shalt  }
0x78: {  	_ =	shalt  }
0x79: {  	_ =	shalt  }
0x7a: {  	_ =	shalt  }
0x7b: {  	_ =	shalt  }
0x7c: {  	_ =	shalt  }
0x7d: {  	_ =	shalt  }
0x7e: {  	_ =	shalt  }
0x7f: {  	_ =	shalt  }
0x80: {  	_ =	shalt  }
0x81: {  	_ =	shalt  }
0x82: {  	_ =	shalt  }
0x83: {  	_ =	shalt  }
0x84: {  	_ =	shalt  }
0x85: {  	_ =	shalt  }
0x86: {  	_ =	shalt  }
0x87: {  	_ =	shalt  }
.Lfunc_end0:
.L_simem_size_0:
called_computation_lowered:
.L_overlay_start_0:
0x88: {  	s2 =	sld [smem:$0x3FD9]  }
0x89: {  	s3 =	sld [smem:$0x3FFE];
	_ =	sdelay $0x1  }
0x8a: {  	s1 =	srdreg.scid  }
0x8b: {  	s0 =	sand.u32 $0x1, s1  }
0x8c: {  	s17 =	sshll.u32 s0, $0xA;
	s2 =	sadd.s32 s3, s2  }
0x8d: {  	s2 =	sadd.s32 s2, s17  }
0x8e: {  	[smem:$0x3FB8] =	sst s2  }
0x8f: {  	_ = 	snop  }
0x90: {  	s2 =	sld [smem:$0x3FC9]  }
0x91: {  	s18 =	sld [smem:$0x3FC8];
	(tm) =	ssettm $0x1  }
0x92: {  	s4 =	sld [smem:$0x3FFB];
	_ =	sdelay $0x3  }
0x93: {  	_ =	strace s4  }
0x94: {  	s4 =	sld [smem:$0x3FFC];
	_ =	sdelay $0x3  }
0x95: {  	_ =	strace s4  }
0x96: {  	s4 =	sld [smem:$0x3FFD];
	_ =	sdelay $0x3  }
0x97: {  	_ =	strace s4  }
0x98: {  	_ =	strace $0x8FFFFFFF  }
0x99: {  	s19 =	sld [smem:$0x3FDB];
	_ =	sdelay $0x1  }
0x9a: {  	s5 =	simm.s32 $_scs_section_size  }
0x9b: {  	s6 =	simm.s32 $_size__tile_overlayer_lowered;
	s7 =	simm.s32 $_tile_overlayer_lowered  }
0x9c: {  	s22 =	simm.s32 $0x1BFF;
	s21 =	sshll.u32 s7, $0x1;
	s4 =	sadd.s32 s5, s19  }
0x9d: {  	s8 =	simm.s32 $0x0;
	s20 =	sshll.u32 s6, $0x1;
	s6 =	sadd.s32 s21, s4  }
0x9e: {  	[timem:s8], [sflag:s22] =	dma.local [hbm:s6], s20  }
0x9f: {  	_ =	swait.ge [sflag:s22], s20  }
0xa0: {  	s5 =	ssub.s32 $0x0, s20;
	[sflag:s22] =	ssyncset.done $0x0  }
0xa1: {  	[sflag:s22] =	ssyncadd.s32 s5;
	_ =	sdelay $0x1  }
0xa2: {  	s23 =	simm.s32 $0x1B8B  }
0xa3: {  	_ =	swait.ge [sflag:s23], $0x1  }
0xa4: {  	[sflag:s23] =	ssyncset.done $0x0  }
0xa5: {  	s25 =	simm.s32 $0x1B8E;
	s24 =	sld [smem:$0x3FFE];
	[sflag:s23] =	ssyncadd.s32 $0xFFFFFFFF  }
0xa6: {  	s26 =	simm.s32 $execute0_lowered;
	[smem:$0x3FD2] =	sst s25  }
0xa7: {  	s6 =	sshll.u32 s26, $0x1;
	_ =	strace $0x80000046;
	[dreg:$0x1] =	wrdreg $0xFFFFFFFF  }
0xa8: {  	s28 =	simm.s32 $_size_execute0_lowered;
	s4 =	sadd.s32 s4, s6;
	[dreg:$0x0] =	wrdreg $0x0  }
0xa9: {  	s6 =	sshll.u32 s28, $0x1;
	[dreg:$0x2] =	wrdreg s4  }
0xaa: {  	[dreg:$0x3] =	wrdreg s6  }
0xab: {  	[dreg:$0x4] =	wrdreg $0xC0  }
0xac: {  	_ =	task [dreg:s8], $0x5FFFF  }
0xad: {  	[dreg:$0x1] =	wrdreg $0xFFFFFFFF  }
0xae: {  	[dreg:$0x0] =	wrdreg $0x60  }
0xaf: {  	[dreg:$0x2] =	wrdreg s2  }
0xb0: {  	[dreg:$0x3] =	wrdreg s18  }
0xb1: {  	[dreg:$0x4] =	wrdreg s24  }
0xb2: {  	[dreg:$0x5] =	wrdreg $0x9  }
0xb3: {  	_ =	task.clear_ibuf [dreg:s8], $0x6FFFF;
	_ =	strace $0x90000046  }
0xb4: {  	s29 =	simm.s32 $0x9;
	_ =	strace $0x80000048  }
0xb5: {  	_ =	swait.ge [sflag:s29], $0x1  }
0xb6: {  	[sflag:s29] =	ssyncadd.s32 $0xFFFFFFFF  }
0xb7: {  	_ =	strace $0x90000048  }
0xb8: {  	_ =	sfence  }
0xb9: {  	s30 =	sld [smem:$0x0];
	_ =	sdelay $0x2  }
0xba: {  	s31 =	sshll.u32 s1, $0xD;
	s1 =	sshrl.u32 s1, $0x2  }
0xbb: {  	s3 =	sand.u32 $0x4000, s31;
	s1 =	sadd.s32 s1, s30  }
0xbc: {  	s0 =	sor.u32 s3, s0;
	s1 =	sshll.u32 s1, $0x11  }
0xbd: {  	s0 =	sor.u32 s1, s0  }
0xbe: {  	s0 =	sadd.s32 $0x8F2B, s0  }
0xbf: {  	[sflag:s0] =	ssyncadd.remote.s32 $0x1  }
0xc0: {  	_ =	sfence.sel $0xFFFF  }
0xc1: {  	[dreg:$0x0] =	wrdreg $0xFFFFFFFF;
	(pc) =	sbr.abs _section_cstart, $3  }
0xc2: {  	[dreg:$0x1] =	wrdreg $0xFFFFFFFF  }
0xc3: {  	_ =	task.clear_ibuf [dreg:s8], $0x2FFFF;
	_ =	strace $0x9FFFFFFF  }
0xc4: {  	(tm) =	ssettm $0x7FFFFFFF  }
0xc5: {  	_ =	shalt  }
tec
execute0_lowered:
.L_overlay_start_1:
0x0: {  	(tag) =	ssettag $0x1  }
0x1: {  	s0 =	rddreg [dreg:$0x0]  }
0x2: {  	s1 =	rddreg [dreg:$0x1]  }
0x3: {  	s2 =	rddreg [dreg:$0x2]  }
0x4: {  	s19 =	simm.s32 $0x0;
	s3 =	srdreg.scid;
	s4 =	stileid.u32  }
0x5: {  	s25 =	simm.s32 $0x200;
	s24 =	simm.s32 $0x80;
	s26 =	simm.s32 $0x280  }
0x6: {  	s16 =	simm.s32 $0x5400;
	s28 =	simm.s32 $0x100;
	s14 =	simm.s32 $0x2400  }
0x7: {  	s29 =	simm.s32 $0x300;
	s11 =	simm.s32 $0x6400;
	s30 =	simm.s32 $0x180  }
0x8: {  	p0 =	por $0x0, $0x0;
	s12 =	simm.s32 $0x3400;
	s31 =	simm.s32 $0x380  }
0x9: {  	s10 =	simm.s32 $0x7400;
	s13 =	simm.s32 $0x20;
	s15 =	simm.s32 $0x40  }
0xa: {  	[smem:$0x7FF] =	sst s19;
	s3 =	sand.u32 $0x1, s3;
	s4 =	sshll.u32 s4, $0x1  }
0xb: {  	s21 =	sadd.s32 $0x1314800, s2;
	s22 =	sadd.s32 $0xF43E00, s2;
	s4 =	sor.u32 s3, s4  }
0xc: {  	_ =	strace $0x80000047;
	s3 =	ssub.s32 $0x2, s3;
	s5 =	sshll.u32 s4, $0xC  }
0xd: {  	s4 =	sshll.u32 s4, $0x6;
	s18 =	sshrl.u32 s3, $0x1;
	s2 =	sadd.s32 s5, s2  }
0xe: {  	s0 =	sadd.s32 s0, s4;
	s17 =	sadd.s32 s1, s4;
	s1 =	ssub.s32 s3, s18  }
0xf: {  	s18 =	simm.s32 $0x4400;
	[dreg:$0x4] =	wrdreg s0;
	s23 =	smax.u32 s1, $0x1  }
0x10: {  	[dreg:$0x5] =	wrdreg s17;
	s20 =	sadd.s32 $0x1A00, s2;
	p1 =	sne.s32 s23, $0x1  }
.Ltmp0:
0x11: {  	s9 =	sadd.s32 $0x1A04, s2;
	s8 =	sadd.s32 $0x1E00, s2;
	(pc) =	sbr.rel @!p1 .LBB2_3-.Ltmp0, $4  }
0x12: {  	s7 =	sadd.s32 $0x1E04, s2;
	s6 =	sadd.s32 $0x2200, s2;
	s5 =	sadd.s32 $0x2204, s2  }
0x13: {  	s4 =	sadd.s32 $0x2600, s2;
	s3 =	sadd.s32 $0x2604, s2;
	s2 =	simm.s32 $0x2  }
0x14: {  	s17 =	simm.s32 $0x1400;
	[dreg:$0x6] =	wrdreg s20;
	s20 =	simm.s32 $0x400  }
0x15: {  	s0 =	sadd.s32 $0xFFFFFFFF, s23;
	s23 =	simm.s32 $0x1;
	s1 =	rddreg [dreg:$0x4]  }
0x16: {  	[tilespmem:s19], [sflag:$0x2] =	stream.linear.gather [hbm4b:s1+s19], $0x200, $0x38;
	[tilespmem:$0x8400] =	vst v63  }
0x17: {  	_ =	swait.ge [sflag:s2], $0x200  }
0x18: {  	[sflag:s2] =	ssyncset.done $0x0  }
0x19: {  	s1 =	rddreg [dreg:$0x5];
	[sflag:s2] =	ssyncadd.s32 $0xFFFFFE00  }
0x1a: {  	[tilespmem:s25], [sflag:$0x2] =	stream.linear.gather [hbm4b:s1+s19], $0x200, $0x38;
	[tilespmem:$0x8400] =	vst v63  }
0x1b: {  	_ =	swait.ge [sflag:s2], $0x200  }
0x1c: {  	[sflag:s2] =	ssyncset.done $0x0  }
0x1d: {  	[sflag:s2] =	ssyncadd.s32 $0xFFFFFE00  }
0x1e: {  	[tilespmem:s20], [sflag:$0x1] =	stream.indirect.gather [hbm4b:s21+s24], $0x20, s19, s24, $0xb8;
	[tilespmem:$0x8400] =	vst v63  }
0x1f: {  	_ = 	snop  }
0x20: {  	[tilespmem:s18], [sflag:$0x1] =	stream.indirect.gather [hbm4b:s22+s24], $0x20, s25, s24, $0xb8;
	[tilespmem:$0x8400] =	vst v63  }
0x21: {  	_ = 	snop  }
0x22: {  	[tilespmem:s17], [sflag:$0x1] =	stream.indirect.gather [hbm4b:s21+s24], $0x20, s24, s24, $0xb8;
	[tilespmem:$0x8400] =	vst v63  }
0x23: {  	_ = 	snop  }
0x24: {  	[tilespmem:s16], [sflag:$0x1] =	stream.indirect.gather [hbm4b:s22+s24], $0x20, s26, s24, $0xb8;
	[tilespmem:$0x8400] =	vst v63  }
0x25: {  	_ = 	snop  }
0x26: {  	[tilespmem:s14], [sflag:$0x1] =	stream.indirect.gather [hbm4b:s21+s24], $0x20, s28, s24, $0xb8;
	[tilespmem:$0x8400] =	vst v63  }
0x27: {  	_ = 	snop  }
0x28: {  	[tilespmem:s11], [sflag:$0x1] =	stream.indirect.gather [hbm4b:s22+s24], $0x20, s29, s24, $0xb8;
	[tilespmem:$0x8400] =	vst v63  }
0x29: {  	_ = 	snop  }
0x2a: {  	[tilespmem:s12], [sflag:$0x1] =	stream.indirect.gather [hbm4b:s21+s24], $0x20, s30, s24, $0xb8;
	[tilespmem:$0x8400] =	vst v63  }
0x2b: {  	_ = 	snop  }
0x2c: {  	[tilespmem:s10], [sflag:$0x1] =	stream.indirect.gather [hbm4b:s22+s24], $0x20, s31, s24, $0xb8;
	[tilespmem:$0x8400] =	vst v63  }
0x2d: {  	_ =	swait.ge [sflag:s23], $0x1000  }
0x2e: {  	[sflag:s23] =	ssyncset.done $0x0  }
0x2f: {  	[sflag:s23] =	ssyncadd.s32 $0xFFFFF000  }
0x30: {  	_ =	swait.ge [sflag:s23], $0x1000  }
0x31: {  	[sflag:s23] =	ssyncset.done $0x0  }
0x32: {  	[sflag:s23] =	ssyncadd.s32 $0xFFFFF000  }
0x33: {  	_ =	swait.ge [sflag:s23], $0x1000  }
0x34: {  	[sflag:s23] =	ssyncset.done $0x0  }
0x35: {  	[sflag:s23] =	ssyncadd.s32 $0xFFFFF000  }
0x36: {  	_ =	swait.ge [sflag:s23], $0x1000  }
0x37: {  	[sflag:s23] =	ssyncset.done $0x0  }
0x38: {  	[sflag:s23] =	ssyncadd.s32 $0xFFFFF000  }
0x39: {  	_ =	swait.ge [sflag:s23], $0x1000  }
0x3a: {  	[sflag:s23] =	ssyncset.done $0x0  }
0x3b: {  	[sflag:s23] =	ssyncadd.s32 $0xFFFFF000  }
0x3c: {  	_ =	swait.ge [sflag:s23], $0x1000  }
0x3d: {  	[sflag:s23] =	ssyncset.done $0x0  }
0x3e: {  	[sflag:s23] =	ssyncadd.s32 $0xFFFFF000  }
0x3f: {  	_ =	swait.ge [sflag:s23], $0x1000  }
0x40: {  	[sflag:s23] =	ssyncset.done $0x0  }
0x41: {  	[sflag:s23] =	ssyncadd.s32 $0xFFFFF000  }
0x42: {  	_ =	swait.ge [sflag:s23], $0x1000  }
0x43: {  	[sflag:s23] =	ssyncset.done $0x0  }
0x44: {  	s1 =	rddreg [dreg:$0x6];
	[sflag:s23] =	ssyncadd.s32 $0xFFFFF000  }
0x45: {  	[hbm4b:s1+s13] =	stream.strided.scatter [tilespmem:s20], [sflag:$0x2], $0x1000, s15, s13, $0x38;
	[tilespmem:$0x8400] =	vst v63  }
0x46: {  	_ =	swait.ge [sflag:s2], $0x1000  }
0x47: {  	[sflag:s2] =	ssyncset.done $0x0  }
0x48: {  	[sflag:s2] =	ssyncadd.s32 $0xFFFFF000  }
0x49: {  	[hbm4b:s9+s13] =	stream.strided.scatter [tilespmem:s18], [sflag:$0x2], $0x1000, s15, s13, $0x38;
	[tilespmem:$0x8400] =	vst v63  }
0x4a: {  	_ =	swait.ge [sflag:s2], $0x1000  }
0x4b: {  	[sflag:s2] =	ssyncset.done $0x0  }
0x4c: {  	[sflag:s2] =	ssyncadd.s32 $0xFFFFF000  }
0x4d: {  	[hbm4b:s8+s13] =	stream.strided.scatter [tilespmem:s17], [sflag:$0x2], $0x1000, s15, s13, $0x38;
	[tilespmem:$0x8400] =	vst v63  }
0x4e: {  	_ =	swait.ge [sflag:s2], $0x1000  }
0x4f: {  	[sflag:s2] =	ssyncset.done $0x0  }
0x50: {  	[sflag:s2] =	ssyncadd.s32 $0xFFFFF000  }
0x51: {  	[hbm4b:s7+s13] =	stream.strided.scatter [tilespmem:s16], [sflag:$0x2], $0x1000, s15, s13, $0x38;
	[tilespmem:$0x8400] =	vst v63  }
0x52: {  	_ =	swait.ge [sflag:s2], $0x1000  }
0x53: {  	[sflag:s2] =	ssyncset.done $0x0  }
0x54: {  	[sflag:s2] =	ssyncadd.s32 $0xFFFFF000  }
0x55: {  	[hbm4b:s6+s13] =	stream.strided.scatter [tilespmem:s14], [sflag:$0x2], $0x1000, s15, s13, $0x38;
	[tilespmem:$0x8400] =	vst v63  }
0x56: {  	_ =	swait.ge [sflag:s2], $0x1000  }
0x57: {  	[sflag:s2] =	ssyncset.done $0x0  }
0x58: {  	[sflag:s2] =	ssyncadd.s32 $0xFFFFF000  }
0x59: {  	[hbm4b:s5+s13] =	stream.strided.scatter [tilespmem:s11], [sflag:$0x2], $0x1000, s15, s13, $0x38;
	[tilespmem:$0x8400] =	vst v63  }
0x5a: {  	_ =	swait.ge [sflag:s2], $0x1000  }
0x5b: {  	[sflag:s2] =	ssyncset.done $0x0  }
0x5c: {  	[sflag:s2] =	ssyncadd.s32 $0xFFFFF000  }
0x5d: {  	[hbm4b:s4+s13] =	stream.strided.scatter [tilespmem:s12], [sflag:$0x2], $0x1000, s15, s13, $0x38;
	[tilespmem:$0x8400] =	vst v63  }
0x5e: {  	p1 =	sne.s32 s0, $0x1;
	_ =	swait.ge [sflag:s2], $0x1000  }
.Ltmp1:
0x5f: {  	[sflag:s2] =	ssyncset.done $0x0;
	(pc) =	sbr.rel @!p1 .LBB2_3-.Ltmp1, $4  }
0x60: {  	[sflag:s2] =	ssyncadd.s32 $0xFFFFF000  }
0x61: {  	[hbm4b:s3+s13] =	stream.strided.scatter [tilespmem:s10], [sflag:$0x2], $0x1000, s15, s13, $0x38;
	[tilespmem:$0x8400] =	vst v63  }
0x62: {  	s0 =	sadd.s32 $0xFFFFFFFF, s0;
	_ =	swait.ge [sflag:s2], $0x1000  }
0x63: {  	p0 =	por $0x1, $0x1;
	s1 =	rddreg [dreg:$0x4];
	[sflag:s2] =	ssyncset.done $0x0  }
.LBB2_2:
0x64: {  	[sflag:s2] =	ssyncadd.s32 $0xFFFFF000  }
0x65: {  	[tilespmem:s19], [sflag:$0x2] =	stream.linear.gather [hbm4b:s1+s19], $0x200, $0x38;
	[tilespmem:$0x8400] =	vst v63  }
0x66: {  	_ =	swait.ge [sflag:s2], $0x200  }
0x67: {  	[sflag:s2] =	ssyncset.done $0x0  }
0x68: {  	s1 =	rddreg [dreg:$0x5];
	[sflag:s2] =	ssyncadd.s32 $0xFFFFFE00  }
0x69: {  	[tilespmem:s25], [sflag:$0x2] =	stream.linear.gather [hbm4b:s1+s19], $0x200, $0x38;
	[tilespmem:$0x8400] =	vst v63  }
0x6a: {  	_ =	swait.ge [sflag:s2], $0x200  }
0x6b: {  	[sflag:s2] =	ssyncset.done $0x0  }
0x6c: {  	[sflag:s2] =	ssyncadd.s32 $0xFFFFFE00  }
0x6d: {  	[tilespmem:s20], [sflag:$0x1] =	stream.indirect.gather [hbm4b:s21+s24], $0x20, s19, s24, $0xb8;
	[tilespmem:$0x8400] =	vst v63  }
0x6e: {  	_ = 	snop  }
0x6f: {  	[tilespmem:s18], [sflag:$0x1] =	stream.indirect.gather [hbm4b:s22+s24], $0x20, s25, s24, $0xb8;
	[tilespmem:$0x8400] =	vst v63  }
0x70: {  	_ = 	snop  }
0x71: {  	[tilespmem:s17], [sflag:$0x1] =	stream.indirect.gather [hbm4b:s21+s24], $0x20, s24, s24, $0xb8;
	[tilespmem:$0x8400] =	vst v63  }
0x72: {  	_ = 	snop  }
0x73: {  	[tilespmem:s16], [sflag:$0x1] =	stream.indirect.gather [hbm4b:s22+s24], $0x20, s26, s24, $0xb8;
	[tilespmem:$0x8400] =	vst v63  }
0x74: {  	_ = 	snop  }
0x75: {  	[tilespmem:s14], [sflag:$0x1] =	stream.indirect.gather [hbm4b:s21+s24], $0x20, s28, s24, $0xb8;
	[tilespmem:$0x8400] =	vst v63  }
0x76: {  	_ = 	snop  }
0x77: {  	[tilespmem:s11], [sflag:$0x1] =	stream.indirect.gather [hbm4b:s22+s24], $0x20, s29, s24, $0xb8;
	[tilespmem:$0x8400] =	vst v63  }
0x78: {  	_ = 	snop  }
0x79: {  	[tilespmem:s12], [sflag:$0x1] =	stream.indirect.gather [hbm4b:s21+s24], $0x20, s30, s24, $0xb8;
	[tilespmem:$0x8400] =	vst v63  }
0x7a: {  	_ = 	snop  }
0x7b: {  	[tilespmem:s10], [sflag:$0x1] =	stream.indirect.gather [hbm4b:s22+s24], $0x20, s31, s24, $0xb8;
	[tilespmem:$0x8400] =	vst v63  }
0x7c: {  	_ =	swait.ge [sflag:s23], $0x1000  }
0x7d: {  	[sflag:s23] =	ssyncset.done $0x0  }
0x7e: {  	[sflag:s23] =	ssyncadd.s32 $0xFFFFF000  }
0x7f: {  	_ =	swait.ge [sflag:s23], $0x1000  }
0x80: {  	[sflag:s23] =	ssyncset.done $0x0  }
0x81: {  	[sflag:s23] =	ssyncadd.s32 $0xFFFFF000  }
0x82: {  	_ =	swait.ge [sflag:s23], $0x1000  }
0x83: {  	[sflag:s23] =	ssyncset.done $0x0  }
0x84: {  	[sflag:s23] =	ssyncadd.s32 $0xFFFFF000  }
0x85: {  	_ =	swait.ge [sflag:s23], $0x1000  }
0x86: {  	[sflag:s23] =	ssyncset.done $0x0  }
0x87: {  	[sflag:s23] =	ssyncadd.s32 $0xFFFFF000  }
0x88: {  	_ =	swait.ge [sflag:s23], $0x1000  }
0x89: {  	[sflag:s23] =	ssyncset.done $0x0  }
0x8a: {  	[sflag:s23] =	ssyncadd.s32 $0xFFFFF000  }
0x8b: {  	_ =	swait.ge [sflag:s23], $0x1000  }
0x8c: {  	[sflag:s23] =	ssyncset.done $0x0  }
0x8d: {  	[sflag:s23] =	ssyncadd.s32 $0xFFFFF000  }
0x8e: {  	_ =	swait.ge [sflag:s23], $0x1000  }
0x8f: {  	[sflag:s23] =	ssyncset.done $0x0  }
0x90: {  	[sflag:s23] =	ssyncadd.s32 $0xFFFFF000  }
0x91: {  	_ =	swait.ge [sflag:s23], $0x1000  }
0x92: {  	[sflag:s23] =	ssyncset.done $0x0  }
0x93: {  	s1 =	rddreg [dreg:$0x6];
	[sflag:s23] =	ssyncadd.s32 $0xFFFFF000  }
0x94: {  	[hbm4b:s1+s13] =	stream.strided.scatter [tilespmem:s20], [sflag:$0x2], $0x1000, s15, s13, $0x38;
	[tilespmem:$0x8400] =	vst v63  }
0x95: {  	_ =	swait.ge [sflag:s2], $0x1000  }
0x96: {  	[sflag:s2] =	ssyncset.done $0x0  }
0x97: {  	[sflag:s2] =	ssyncadd.s32 $0xFFFFF000  }
0x98: {  	[hbm4b:s9+s13] =	stream.strided.scatter [tilespmem:s18], [sflag:$0x2], $0x1000, s15, s13, $0x38;
	[tilespmem:$0x8400] =	vst v63  }
0x99: {  	_ =	swait.ge [sflag:s2], $0x1000  }
0x9a: {  	[sflag:s2] =	ssyncset.done $0x0  }
0x9b: {  	[sflag:s2] =	ssyncadd.s32 $0xFFFFF000  }
0x9c: {  	[hbm4b:s8+s13] =	stream.strided.scatter [tilespmem:s17], [sflag:$0x2], $0x1000, s15, s13, $0x38;
	[tilespmem:$0x8400] =	vst v63  }
0x9d: {  	_ =	swait.ge [sflag:s2], $0x1000  }
0x9e: {  	[sflag:s2] =	ssyncset.done $0x0  }
0x9f: {  	[sflag:s2] =	ssyncadd.s32 $0xFFFFF000  }
0xa0: {  	[hbm4b:s7+s13] =	stream.strided.scatter [tilespmem:s16], [sflag:$0x2], $0x1000, s15, s13, $0x38;
	[tilespmem:$0x8400] =	vst v63  }
0xa1: {  	_ =	swait.ge [sflag:s2], $0x1000  }
0xa2: {  	[sflag:s2] =	ssyncset.done $0x0  }
0xa3: {  	[sflag:s2] =	ssyncadd.s32 $0xFFFFF000  }
0xa4: {  	[hbm4b:s6+s13] =	stream.strided.scatter [tilespmem:s14], [sflag:$0x2], $0x1000, s15, s13, $0x38;
	[tilespmem:$0x8400] =	vst v63  }
0xa5: {  	_ =	swait.ge [sflag:s2], $0x1000  }
0xa6: {  	[sflag:s2] =	ssyncset.done $0x0  }
0xa7: {  	[sflag:s2] =	ssyncadd.s32 $0xFFFFF000  }
0xa8: {  	[hbm4b:s5+s13] =	stream.strided.scatter [tilespmem:s11], [sflag:$0x2], $0x1000, s15, s13, $0x38;
	[tilespmem:$0x8400] =	vst v63  }
0xa9: {  	_ =	swait.ge [sflag:s2], $0x1000  }
0xaa: {  	[sflag:s2] =	ssyncset.done $0x0  }
0xab: {  	[sflag:s2] =	ssyncadd.s32 $0xFFFFF000  }
0xac: {  	[hbm4b:s4+s13] =	stream.strided.scatter [tilespmem:s12], [sflag:$0x2], $0x1000, s15, s13, $0x38;
	[tilespmem:$0x8400] =	vst v63  }
0xad: {  	p1 =	sne.s32 s0, $0x1;
	_ =	swait.ge [sflag:s2], $0x1000  }
.Ltmp2:
0xae: {  	[sflag:s2] =	ssyncset.done $0x0;
	(pc) =	sbr.rel @p1 .LBB2_2-.Ltmp2, $4  }
0xaf: {  	[sflag:s2] =	ssyncadd.s32 $0xFFFFF000  }
0xb0: {  	[hbm4b:s3+s13] =	stream.strided.scatter [tilespmem:s10], [sflag:$0x2], $0x1000, s15, s13, $0x38;
	[tilespmem:$0x8400] =	vst v63  }
0xb1: {  	_ =	swait.ge [sflag:s2], $0x1000  }
0xb2: {  	s0 =	sadd.s32 $0xFFFFFFFF, s0;
	s1 =	rddreg [dreg:$0x4];
	[sflag:s2] =	ssyncset.done $0x0  }
.LBB2_3:
0xb3: {  	[sflag:s2] =	ssyncadd.s32 @p0 $0xFFFFF000  }
0xb4: {  	[tilespmem:s19], [sflag:$0x2] =	stream.linear.gather [hbm4b:s1+s19], $0x200, $0x38;
	[tilespmem:$0x8400] =	vst v63  }
0xb5: {  	_ =	swait.ge [sflag:s2], $0x200  }
0xb6: {  	[sflag:s2] =	ssyncset.done $0x0  }
0xb7: {  	s0 =	rddreg [dreg:$0x5];
	[sflag:s2] =	ssyncadd.s32 $0xFFFFFE00  }
0xb8: {  	[tilespmem:s25], [sflag:$0x2] =	stream.linear.gather [hbm4b:s0+s19], $0x200, $0x38;
	[tilespmem:$0x8400] =	vst v63  }
0xb9: {  	_ =	swait.ge [sflag:s2], $0x200  }
0xba: {  	[sflag:s2] =	ssyncset.done $0x0  }
0xbb: {  	[sflag:s2] =	ssyncadd.s32 $0xFFFFFE00  }
0xbc: {  	[tilespmem:s20], [sflag:$0x1] =	stream.indirect.gather [hbm4b:s21+s24], $0x20, s19, s24, $0xb8;
	[tilespmem:$0x8400] =	vst v63  }
0xbd: {  	_ = 	snop  }
0xbe: {  	[tilespmem:s18], [sflag:$0x1] =	stream.indirect.gather [hbm4b:s22+s24], $0x20, s25, s24, $0xb8;
	[tilespmem:$0x8400] =	vst v63  }
0xbf: {  	_ = 	snop  }
0xc0: {  	[tilespmem:s17], [sflag:$0x1] =	stream.indirect.gather [hbm4b:s21+s24], $0x20, s24, s24, $0xb8;
	[tilespmem:$0x8400] =	vst v63  }
0xc1: {  	_ = 	snop  }
0xc2: {  	[tilespmem:s16], [sflag:$0x1] =	stream.indirect.gather [hbm4b:s22+s24], $0x20, s26, s24, $0xb8;
	[tilespmem:$0x8400] =	vst v63  }
0xc3: {  	_ = 	snop  }
0xc4: {  	[tilespmem:s14], [sflag:$0x1] =	stream.indirect.gather [hbm4b:s21+s24], $0x20, s28, s24, $0xb8;
	[tilespmem:$0x8400] =	vst v63  }
0xc5: {  	_ = 	snop  }
0xc6: {  	[tilespmem:s11], [sflag:$0x1] =	stream.indirect.gather [hbm4b:s22+s24], $0x20, s29, s24, $0xb8;
	[tilespmem:$0x8400] =	vst v63  }
0xc7: {  	_ = 	snop  }
0xc8: {  	[tilespmem:s12], [sflag:$0x1] =	stream.indirect.gather [hbm4b:s21+s24], $0x20, s30, s24, $0xb8;
	[tilespmem:$0x8400] =	vst v63  }
0xc9: {  	_ = 	snop  }
0xca: {  	[tilespmem:s10], [sflag:$0x1] =	stream.indirect.gather [hbm4b:s22+s24], $0x20, s31, s24, $0xb8;
	[tilespmem:$0x8400] =	vst v63  }
0xcb: {  	_ =	swait.ge [sflag:s23], $0x1000  }
0xcc: {  	[sflag:s23] =	ssyncset.done $0x0  }
0xcd: {  	[sflag:s23] =	ssyncadd.s32 $0xFFFFF000  }
0xce: {  	_ =	swait.ge [sflag:s23], $0x1000  }
0xcf: {  	[sflag:s23] =	ssyncset.done $0x0  }
0xd0: {  	[sflag:s23] =	ssyncadd.s32 $0xFFFFF000  }
0xd1: {  	_ =	swait.ge [sflag:s23], $0x1000  }
0xd2: {  	[sflag:s23] =	ssyncset.done $0x0  }
0xd3: {  	[sflag:s23] =	ssyncadd.s32 $0xFFFFF000  }
0xd4: {  	_ =	swait.ge [sflag:s23], $0x1000  }
0xd5: {  	[sflag:s23] =	ssyncset.done $0x0  }
0xd6: {  	[sflag:s23] =	ssyncadd.s32 $0xFFFFF000  }
0xd7: {  	_ =	swait.ge [sflag:s23], $0x1000  }
0xd8: {  	[sflag:s23] =	ssyncset.done $0x0  }
0xd9: {  	[sflag:s23] =	ssyncadd.s32 $0xFFFFF000  }
0xda: {  	_ =	swait.ge [sflag:s23], $0x1000  }
0xdb: {  	[sflag:s23] =	ssyncset.done $0x0  }
0xdc: {  	[sflag:s23] =	ssyncadd.s32 $0xFFFFF000  }
0xdd: {  	_ =	swait.ge [sflag:s23], $0x1000  }
0xde: {  	[sflag:s23] =	ssyncset.done $0x0  }
0xdf: {  	[sflag:s23] =	ssyncadd.s32 $0xFFFFF000  }
0xe0: {  	_ =	swait.ge [sflag:s23], $0x1000  }
0xe1: {  	[sflag:s23] =	ssyncset.done $0x0  }
0xe2: {  	s30 =	rddreg [dreg:$0x6];
	[sflag:s23] =	ssyncadd.s32 $0xFFFFF000  }
0xe3: {  	[hbm4b:s30+s13] =	stream.strided.scatter [tilespmem:s20], [sflag:$0x2], $0x1000, s15, s13, $0x38;
	[tilespmem:$0x8400] =	vst v63  }
0xe4: {  	_ =	swait.ge [sflag:s2], $0x1000  }
0xe5: {  	[sflag:s2] =	ssyncset.done $0x0  }
0xe6: {  	[sflag:s2] =	ssyncadd.s32 $0xFFFFF000  }
0xe7: {  	[hbm4b:s9+s13] =	stream.strided.scatter [tilespmem:s18], [sflag:$0x2], $0x1000, s15, s13, $0x38;
	[tilespmem:$0x8400] =	vst v63  }
0xe8: {  	_ =	swait.ge [sflag:s2], $0x1000  }
0xe9: {  	[sflag:s2] =	ssyncset.done $0x0  }
0xea: {  	[sflag:s2] =	ssyncadd.s32 $0xFFFFF000  }
0xeb: {  	[hbm4b:s8+s13] =	stream.strided.scatter [tilespmem:s17], [sflag:$0x2], $0x1000, s15, s13, $0x38;
	[tilespmem:$0x8400] =	vst v63  }
0xec: {  	_ =	swait.ge [sflag:s2], $0x1000  }
0xed: {  	[sflag:s2] =	ssyncset.done $0x0  }
0xee: {  	[sflag:s2] =	ssyncadd.s32 $0xFFFFF000  }
0xef: {  	[hbm4b:s7+s13] =	stream.strided.scatter [tilespmem:s16], [sflag:$0x2], $0x1000, s15, s13, $0x38;
	[tilespmem:$0x8400] =	vst v63  }
0xf0: {  	_ =	swait.ge [sflag:s2], $0x1000  }
0xf1: {  	[sflag:s2] =	ssyncset.done $0x0  }
0xf2: {  	[sflag:s2] =	ssyncadd.s32 $0xFFFFF000  }
0xf3: {  	[hbm4b:s6+s13] =	stream.strided.scatter [tilespmem:s14], [sflag:$0x2], $0x1000, s15, s13, $0x38;
	[tilespmem:$0x8400] =	vst v63  }
0xf4: {  	_ =	swait.ge [sflag:s2], $0x1000  }
0xf5: {  	[sflag:s2] =	ssyncset.done $0x0  }
0xf6: {  	[sflag:s2] =	ssyncadd.s32 $0xFFFFF000  }
0xf7: {  	[hbm4b:s5+s13] =	stream.strided.scatter [tilespmem:s11], [sflag:$0x2], $0x1000, s15, s13, $0x38;
	[tilespmem:$0x8400] =	vst v63  }
0xf8: {  	_ =	swait.ge [sflag:s2], $0x1000  }
0xf9: {  	[sflag:s2] =	ssyncset.done $0x0  }
0xfa: {  	[sflag:s2] =	ssyncadd.s32 $0xFFFFF000  }
0xfb: {  	[hbm4b:s4+s13] =	stream.strided.scatter [tilespmem:s12], [sflag:$0x2], $0x1000, s15, s13, $0x38;
	[tilespmem:$0x8400] =	vst v63  }
0xfc: {  	_ =	swait.ge [sflag:s2], $0x1000  }
0xfd: {  	[sflag:s2] =	ssyncset.done $0x0  }
0xfe: {  	[sflag:s2] =	ssyncadd.s32 $0xFFFFF000  }
0xff: {  	[hbm4b:s3+s13] =	stream.strided.scatter [tilespmem:s10], [sflag:$0x2], $0x1000, s15, s13, $0x38;
	[tilespmem:$0x8400] =	vst v63  }
0x100: {  	_ =	swait.ge [sflag:s2], $0x1000  }
0x101: {  	[sflag:s2] =	ssyncset.done $0x0  }
0x102: {  	[sflag:s2] =	ssyncadd.s32 $0xFFFFF000  }
0x103: {  	_ =	sfence.sel $0x180000  }
0x104: {  	[bflag:$0x0] =	sbarrier.arrive $0xFFFF  }
0x105: {  	_ =	strace $0x90000047  }
0x106: {  	s31 =	stileid.u32;
	[bflag:$0x2] =	sbarrier.arrive $0xFFFF  }
0x107: {  	p0 =	sne.s32 s31, $0x0;
	s0 =	rddreg [dreg:$0x3]  }
0x108: {  	s0 =	sadd.s32 @!p0 $0x100000, s0  }
0x109: {  	[sflag:s0] =	ssyncadd.tile.s32 @!p0 $0x1;
	_ =	shalt  }
.Lfunc_end2:
_tile_overlayer_lowered:
.L_overlay_start_2:
0x10a: {  	(tag) =	ssettag $0x2  }
0x10b: {  	s0 =	rddreg [dreg:$0x0];
	s2 =	stileid.u32  }
0x10c: {  	s1 =	rddreg [dreg:$0x1];
	p0 =	sne.s32 s2, $0x0  }
0x10d: {  	s3 =	rddreg [dreg:$0x2];
	[bflag:$0x3] =	sbarrier.arrive $0xFFFF;
	s2 =	simm.s32 @!p0 $0x1C02  }
0x10e: {  	[timem:s3], [sflag:s2] =	dma.local @!p0 [hbm:s0], s1  }
0x10f: {  	s0 =	simm.s32 @!p0 $0x2  }
0x110: {  	_ =	swait.ge @!p0 [sflag:s0], s1  }
0x111: {  	s1 =	ssub.s32 @!p0 $0x0, s1;
	[sflag:s0] =	ssyncset.done @!p0 $0x0  }
0x112: {  	[sflag:s0] =	ssyncadd.s32 @!p0 s1  }
0x113: {  	[bflag:$0x3] =	sbarrier.arrive $0xFFFF  }
0x114: {  	_ =	shalt  }

</sc_bundles>
